<compile_context>
chip_gen: v7x
topology: tpu7x:2x2x1
jax: 0.10.2.dev20260603
libtpu: 0.0.44.dev20260713+nightly
codegen_flags: <defaults>
</compile_context>

<pallas_src>
import functools

import jax
import jax.numpy as jnp
from jax import lax
from jax.experimental import pallas as pl
from jax.experimental.pallas import tpu as pltpu
from jax.experimental.pallas import tpu_sc as plsc

D_MODEL = 512
_NC = 2
_NS = 16
_NW = _NC * _NS
_B = 1024 * 200
_BPW = _B // _NW
_C = 40
_G = _BPW // _C
_NBUF = 5

_mesh = plsc.VectorSubcoreMesh(core_axis_name="c", subcore_axis_name="s")


@functools.partial(
    pl.kernel,
    out_type=jax.ShapeDtypeStruct((_NW, _G, _C, D_MODEL), jnp.float32),
    mesh=_mesh,
    scratch_types=[
        pltpu.VMEM((_G, _C), jnp.int32),
        [pltpu.VMEM((_C, D_MODEL), jnp.float32) for _ in range(_NBUF)],
        [pltpu.SemaphoreType.DMA for _ in range(_NBUF)],
        [pltpu.SemaphoreType.DMA for _ in range(_NBUF)],
    ],
)
def _emb_lookup(table_hbm, idx_hbm, out_hbm, idx_v, rows, gsem, ssem):
    wid = lax.axis_index("s") * _NC + lax.axis_index("c")
    pltpu.sync_copy(idx_hbm.at[wid], idx_v)

    def gstart(b, c):
        pltpu.async_copy(table_hbm.at[idx_v.at[c]], rows[b], gsem[b])

    def gwait(b, c):
        pltpu.make_async_copy(table_hbm.at[idx_v.at[c]], rows[b], gsem[b]).wait()

    def sstart(b, c):
        pltpu.async_copy(rows[b], out_hbm.at[wid, c], ssem[b])

    def swait(b, c):
        pltpu.make_async_copy(rows[b], out_hbm.at[wid, c], ssem[b]).wait()

    def step(b, j, first=False, last=False):
        pb = (b - 1) % _NBUF
        gwait(b, j + b)
        sstart(b, j + b)
        if not (first and b == 0):
            swait(pb, j + b - 1)
        if not last:
            gstart(pb, j + b - 1 + _NBUF)
        elif b == 0:
            gstart(pb, j + _NBUF - 1)

    for b in range(_NBUF - 1):
        gstart(b, b)

    for b in range(_NBUF):
        step(b, 0, first=True)

    def steady(j):
        for b in range(_NBUF):
            step(b, j)

    pl.loop(_NBUF, _G - _NBUF, step=_NBUF)(steady)

    for b in range(_NBUF):
        step(b, _G - _NBUF, last=True)
    swait(_NBUF - 1, _G - 1)


def kernel(x, embedding):
    idx = x.astype(jnp.int32).reshape(_NW, _G, _C)
    out = _emb_lookup(embedding, idx)
    return out.reshape(x.shape + (D_MODEL,))

# --- scband reference (transcript-rebuilt; emitter-appended) ---
"""Pipeline reference for scband-input-embeddings-38534446580367 (READ-ONLY COPY).

The authoritative reference and input builder live on the scoring server;
editing this copy changes nothing except your own understanding.
"""

import jax, jax.numpy as jnp
import numpy as np

VOCAB = 100000
D_MODEL = 512

def setup_inputs(seed: int = 0) -> dict:
    key = jax.random.key(seed)
    k_idx, k_emb = jax.random.split(key)
    x = jax.random.randint(k_idx, (1024, 200), 0, VOCAB, dtype=jnp.int64 if jax.config.jax_enable_x64 else jnp.int32)
    embedding = jax.random.normal(k_emb, (VOCAB, D_MODEL), dtype=jnp.float32)
    return {"x": x, "embedding": embedding}

def reference(x, embedding):
    # Faithful translation of nn.Embedding lookup: out = embedding[x]
    return jnp.take(embedding, x, axis=0)

if __name__ == "__main__":
    import jax
    _d = setup_inputs()
    print(jax.jit(kernel)(*tuple(_d.values())))

</pallas_src>

<mosaic_0001>
#map = affine_map<(d0, d1) -> (0, 0)>
#map1 = affine_map<(d0, d1) -> (0, 0, 0)>
#map2 = affine_map<(d0, d1) -> (0, 0, 0, 0)>
module attributes {stable_mosaic.version = 14 : i64} {
  func.func @_emb_lookup(%arg0: i32, %arg1: i32, %arg2: memref<100000x512xf32, #tpu.memory_space<hbm>>, %arg3: memref<32x160x40xi32, #tpu.memory_space<hbm>>, %arg4: memref<32x160x40x512xf32, #tpu.memory_space<hbm>>, %arg5: memref<160x40xi32, #tpu.memory_space<vmem>>, %arg6: memref<40x512xf32, #tpu.memory_space<vmem>>, %arg7: memref<40x512xf32, #tpu.memory_space<vmem>>, %arg8: memref<40x512xf32, #tpu.memory_space<vmem>>, %arg9: memref<40x512xf32, #tpu.memory_space<vmem>>, %arg10: memref<40x512xf32, #tpu.memory_space<vmem>>, %arg11: memref<!tpu.dma_semaphore, #tpu.memory_space<semaphore_mem>>, %arg12: memref<!tpu.dma_semaphore, #tpu.memory_space<semaphore_mem>>, %arg13: memref<!tpu.dma_semaphore, #tpu.memory_space<semaphore_mem>>, %arg14: memref<!tpu.dma_semaphore, #tpu.memory_space<semaphore_mem>>, %arg15: memref<!tpu.dma_semaphore, #tpu.memory_space<semaphore_mem>>, %arg16: memref<!tpu.dma_semaphore, #tpu.memory_space<semaphore_mem>>, %arg17: memref<!tpu.dma_semaphore, #tpu.memory_space<semaphore_mem>>, %arg18: memref<!tpu.dma_semaphore, #tpu.memory_space<semaphore_mem>>, %arg19: memref<!tpu.dma_semaphore, #tpu.memory_space<semaphore_mem>>, %arg20: memref<!tpu.dma_semaphore, #tpu.memory_space<semaphore_mem>>) attributes {dimension_semantics = [#tpu.dimension_semantics<core_parallel>, #tpu.dimension_semantics<subcore_parallel>], iteration_bounds = array<i64: 2, 16>, scalar_prefetch = 0 : i64, scratch_operands = 16 : i64, tpu.core_type = #tpu.core_type<sc_vector_subcore>, window_params = [{transform_indices = #map}, {transform_indices = #map1}, {transform_indices = #map2}]} {
    %mul3A = arith.constant 2 : i32
    %mul3A_0 = arith.muli %arg1, %mul3A : i32
    %add3A = arith.addi %mul3A_0, %arg0 : i32
    "tpu.region"() ({
      %run_scoped3A = tpu.sem_alloc : memref<!tpu.dma_semaphore, #tpu.memory_space<semaphore_mem>>
      %dma_start3A_323 = arith.constant 0 : i32
      %dma_start3A_324 = arith.constant 0 : i32
      %dma_start3A_325 = tpu.memref_slice %arg3[%add3A, %dma_start3A_323, %dma_start3A_324] : memref<32x160x40xi32, #tpu.memory_space<hbm>> -> memref<1x160x40xi32, #tpu.memory_space<hbm>>
      %dma_start3A_326 = tpu.memref_squeeze %dma_start3A_325 : memref<1x160x40xi32, #tpu.memory_space<hbm>> -> memref<160x40xi32, #tpu.memory_space<hbm>>
      %dma_start3A_327 = arith.constant 0 : i32
      %dma_start3A_328 = arith.constant 0 : i32
      %dma_start3A_329 = tpu.memref_slice %arg3[%add3A, %dma_start3A_327, %dma_start3A_328] : memref<32x160x40xi32, #tpu.memory_space<hbm>> -> memref<1x160x40xi32, #tpu.memory_space<hbm>>
      %dma_start3A_330 = tpu.memref_squeeze %dma_start3A_329 : memref<1x160x40xi32, #tpu.memory_space<hbm>> -> memref<160x40xi32, #tpu.memory_space<hbm>>
      tpu.enqueue_dma source(%dma_start3A_330 : memref<160x40xi32, #tpu.memory_space<hbm>>) target(%arg5 : memref<160x40xi32, #tpu.memory_space<vmem>>) target_semaphore(%run_scoped3A : memref<!tpu.dma_semaphore, #tpu.memory_space<semaphore_mem>>)
      %dma_wait3A_331 = arith.constant 0 : i32
      %dma_wait3A_332 = arith.constant 0 : i32
      %dma_wait3A_333 = tpu.memref_slice %arg3[%add3A, %dma_wait3A_331, %dma_wait3A_332] : memref<32x160x40xi32, #tpu.memory_space<hbm>> -> memref<1x160x40xi32, #tpu.memory_space<hbm>>
      %dma_wait3A_334 = tpu.memref_squeeze %dma_wait3A_333 : memref<1x160x40xi32, #tpu.memory_space<hbm>> -> memref<160x40xi32, #tpu.memory_space<hbm>>
      %dma_wait3A_335 = arith.constant 0 : i32
      %dma_wait3A_336 = arith.constant 0 : i32
      %dma_wait3A_337 = tpu.memref_slice %arg3[%add3A, %dma_wait3A_335, %dma_wait3A_336] : memref<32x160x40xi32, #tpu.memory_space<hbm>> -> memref<1x160x40xi32, #tpu.memory_space<hbm>>
      %dma_wait3A_338 = tpu.memref_squeeze %dma_wait3A_337 : memref<1x160x40xi32, #tpu.memory_space<hbm>> -> memref<160x40xi32, #tpu.memory_space<hbm>>
      tpu.wait_dma2 semaphore(%run_scoped3A : memref<!tpu.dma_semaphore, #tpu.memory_space<semaphore_mem>>) src(%dma_wait3A_338 : memref<160x40xi32, #tpu.memory_space<hbm>>) dst(%arg5 : memref<160x40xi32, #tpu.memory_space<vmem>>)
      tpu.yield
    }) : () -> ()
    %dma_start3A = arith.constant 0 : i32
    %dma_start3A_1 = arith.constant 0 : i32
    %dma_start3A_2 = tpu.memref_slice %arg5[%dma_start3A, %dma_start3A_1] : memref<160x40xi32, #tpu.memory_space<vmem>> -> memref<1x40xi32, #tpu.memory_space<vmem>>
    %dma_start3A_3 = tpu.memref_squeeze %dma_start3A_2 : memref<1x40xi32, #tpu.memory_space<vmem>> -> memref<40xi32, #tpu.memory_space<vmem>>
    %dma_start3A_4 = arith.constant 0 : i32
    %dma_start3A_5 = arith.constant 0 : i32
    %dma_start3A_6 = tpu.memref_slice %arg2[%dma_start3A_4, %dma_start3A_5] : memref<100000x512xf32, #tpu.memory_space<hbm>> -> memref<100000x512xf32, #tpu.memory_space<hbm>>
    tpu.enqueue_indirect_dma source(%dma_start3A_6 : memref<100000x512xf32, #tpu.memory_space<hbm>>) target(%arg6 : memref<40x512xf32, #tpu.memory_space<vmem>>) offsets(%dma_start3A_3 : memref<40xi32, #tpu.memory_space<vmem>>) semaphore(%arg11 : memref<!tpu.dma_semaphore, #tpu.memory_space<semaphore_mem>>)
    %dma_start3A_7 = arith.constant 1 : i32
    %dma_start3A_8 = arith.constant 0 : i32
    %dma_start3A_9 = tpu.memref_slice %arg5[%dma_start3A_7, %dma_start3A_8] : memref<160x40xi32, #tpu.memory_space<vmem>> -> memref<1x40xi32, #tpu.memory_space<vmem>>
    %dma_start3A_10 = tpu.memref_squeeze %dma_start3A_9 : memref<1x40xi32, #tpu.memory_space<vmem>> -> memref<40xi32, #tpu.memory_space<vmem>>
    %dma_start3A_11 = arith.constant 0 : i32
    %dma_start3A_12 = arith.constant 0 : i32
    %dma_start3A_13 = tpu.memref_slice %arg2[%dma_start3A_11, %dma_start3A_12] : memref<100000x512xf32, #tpu.memory_space<hbm>> -> memref<100000x512xf32, #tpu.memory_space<hbm>>
    tpu.enqueue_indirect_dma source(%dma_start3A_13 : memref<100000x512xf32, #tpu.memory_space<hbm>>) target(%arg7 : memref<40x512xf32, #tpu.memory_space<vmem>>) offsets(%dma_start3A_10 : memref<40xi32, #tpu.memory_space<vmem>>) semaphore(%arg12 : memref<!tpu.dma_semaphore, #tpu.memory_space<semaphore_mem>>)
    %dma_start3A_14 = arith.constant 2 : i32
    %dma_start3A_15 = arith.constant 0 : i32
    %dma_start3A_16 = tpu.memref_slice %arg5[%dma_start3A_14, %dma_start3A_15] : memref<160x40xi32, #tpu.memory_space<vmem>> -> memref<1x40xi32, #tpu.memory_space<vmem>>
    %dma_start3A_17 = tpu.memref_squeeze %dma_start3A_16 : memref<1x40xi32, #tpu.memory_space<vmem>> -> memref<40xi32, #tpu.memory_space<vmem>>
    %dma_start3A_18 = arith.constant 0 : i32
    %dma_start3A_19 = arith.constant 0 : i32
    %dma_start3A_20 = tpu.memref_slice %arg2[%dma_start3A_18, %dma_start3A_19] : memref<100000x512xf32, #tpu.memory_space<hbm>> -> memref<100000x512xf32, #tpu.memory_space<hbm>>
    tpu.enqueue_indirect_dma source(%dma_start3A_20 : memref<100000x512xf32, #tpu.memory_space<hbm>>) target(%arg8 : memref<40x512xf32, #tpu.memory_space<vmem>>) offsets(%dma_start3A_17 : memref<40xi32, #tpu.memory_space<vmem>>) semaphore(%arg13 : memref<!tpu.dma_semaphore, #tpu.memory_space<semaphore_mem>>)
    %dma_start3A_21 = arith.constant 3 : i32
    %dma_start3A_22 = arith.constant 0 : i32
    %dma_start3A_23 = tpu.memref_slice %arg5[%dma_start3A_21, %dma_start3A_22] : memref<160x40xi32, #tpu.memory_space<vmem>> -> memref<1x40xi32, #tpu.memory_space<vmem>>
    %dma_start3A_24 = tpu.memref_squeeze %dma_start3A_23 : memref<1x40xi32, #tpu.memory_space<vmem>> -> memref<40xi32, #tpu.memory_space<vmem>>
    %dma_start3A_25 = arith.constant 0 : i32
    %dma_start3A_26 = arith.constant 0 : i32
    %dma_start3A_27 = tpu.memref_slice %arg2[%dma_start3A_25, %dma_start3A_26] : memref<100000x512xf32, #tpu.memory_space<hbm>> -> memref<100000x512xf32, #tpu.memory_space<hbm>>
    tpu.enqueue_indirect_dma source(%dma_start3A_27 : memref<100000x512xf32, #tpu.memory_space<hbm>>) target(%arg9 : memref<40x512xf32, #tpu.memory_space<vmem>>) offsets(%dma_start3A_24 : memref<40xi32, #tpu.memory_space<vmem>>) semaphore(%arg14 : memref<!tpu.dma_semaphore, #tpu.memory_space<semaphore_mem>>)
    %dma_wait3A = arith.constant 0 : i32
    %dma_wait3A_28 = arith.constant 0 : i32
    %dma_wait3A_29 = tpu.memref_slice %arg5[%dma_wait3A, %dma_wait3A_28] : memref<160x40xi32, #tpu.memory_space<vmem>> -> memref<1x40xi32, #tpu.memory_space<vmem>>
    %dma_wait3A_30 = tpu.memref_squeeze %dma_wait3A_29 : memref<1x40xi32, #tpu.memory_space<vmem>> -> memref<40xi32, #tpu.memory_space<vmem>>
    %dma_wait3A_31 = arith.constant 0 : i32
    %dma_wait3A_32 = arith.constant 0 : i32
    %dma_wait3A_33 = tpu.memref_slice %arg2[%dma_wait3A_31, %dma_wait3A_32] : memref<100000x512xf32, #tpu.memory_space<hbm>> -> memref<100000x512xf32, #tpu.memory_space<hbm>>
    tpu.wait_indirect_dma semaphore(%arg11 : memref<!tpu.dma_semaphore, #tpu.memory_space<semaphore_mem>>) src(%dma_wait3A_33 : memref<100000x512xf32, #tpu.memory_space<hbm>>) dst(%arg6 : memref<40x512xf32, #tpu.memory_space<vmem>>)
    %dma_start3A_34 = arith.constant 0 : i32
    %dma_start3A_35 = arith.constant 0 : i32
    %dma_start3A_36 = arith.constant 0 : i32
    %dma_start3A_37 = tpu.memref_slice %arg4[%add3A, %dma_start3A_34, %dma_start3A_35, %dma_start3A_36] : memref<32x160x40x512xf32, #tpu.memory_space<hbm>> -> memref<1x1x40x512xf32, #tpu.memory_space<hbm>>
    %dma_start3A_38 = tpu.memref_squeeze %dma_start3A_37 : memref<1x1x40x512xf32, #tpu.memory_space<hbm>> -> memref<40x512xf32, #tpu.memory_space<hbm>>
    %dma_start3A_39 = arith.constant 0 : i32
    %dma_start3A_40 = arith.constant 0 : i32
    %dma_start3A_41 = tpu.memref_slice %arg4[%add3A, %dma_start3A_34, %dma_start3A_39, %dma_start3A_40] : memref<32x160x40x512xf32, #tpu.memory_space<hbm>> -> memref<1x1x40x512xf32, #tpu.memory_space<hbm>>
    %dma_start3A_42 = tpu.memref_squeeze %dma_start3A_41 : memref<1x1x40x512xf32, #tpu.memory_space<hbm>> -> memref<40x512xf32, #tpu.memory_space<hbm>>
    tpu.enqueue_dma source(%arg6 : memref<40x512xf32, #tpu.memory_space<vmem>>) target(%dma_start3A_42 : memref<40x512xf32, #tpu.memory_space<hbm>>) target_semaphore(%arg16 : memref<!tpu.dma_semaphore, #tpu.memory_space<semaphore_mem>>)
    %dma_start3A_43 = arith.constant 4 : i32
    %dma_start3A_44 = arith.constant 0 : i32
    %dma_start3A_45 = tpu.memref_slice %arg5[%dma_start3A_43, %dma_start3A_44] : memref<160x40xi32, #tpu.memory_space<vmem>> -> memref<1x40xi32, #tpu.memory_space<vmem>>
    %dma_start3A_46 = tpu.memref_squeeze %dma_start3A_45 : memref<1x40xi32, #tpu.memory_space<vmem>> -> memref<40xi32, #tpu.memory_space<vmem>>
    %dma_start3A_47 = arith.constant 0 : i32
    %dma_start3A_48 = arith.constant 0 : i32
    %dma_start3A_49 = tpu.memref_slice %arg2[%dma_start3A_47, %dma_start3A_48] : memref<100000x512xf32, #tpu.memory_space<hbm>> -> memref<100000x512xf32, #tpu.memory_space<hbm>>
    tpu.enqueue_indirect_dma source(%dma_start3A_49 : memref<100000x512xf32, #tpu.memory_space<hbm>>) target(%arg10 : memref<40x512xf32, #tpu.memory_space<vmem>>) offsets(%dma_start3A_46 : memref<40xi32, #tpu.memory_space<vmem>>) semaphore(%arg15 : memref<!tpu.dma_semaphore, #tpu.memory_space<semaphore_mem>>)
    %dma_wait3A_50 = arith.constant 1 : i32
    %dma_wait3A_51 = arith.constant 0 : i32
    %dma_wait3A_52 = tpu.memref_slice %arg5[%dma_wait3A_50, %dma_wait3A_51] : memref<160x40xi32, #tpu.memory_space<vmem>> -> memref<1x40xi32, #tpu.memory_space<vmem>>
    %dma_wait3A_53 = tpu.memref_squeeze %dma_wait3A_52 : memref<1x40xi32, #tpu.memory_space<vmem>> -> memref<40xi32, #tpu.memory_space<vmem>>
    %dma_wait3A_54 = arith.constant 0 : i32
    %dma_wait3A_55 = arith.constant 0 : i32
    %dma_wait3A_56 = tpu.memref_slice %arg2[%dma_wait3A_54, %dma_wait3A_55] : memref<100000x512xf32, #tpu.memory_space<hbm>> -> memref<100000x512xf32, #tpu.memory_space<hbm>>
    tpu.wait_indirect_dma semaphore(%arg12 : memref<!tpu.dma_semaphore, #tpu.memory_space<semaphore_mem>>) src(%dma_wait3A_56 : memref<100000x512xf32, #tpu.memory_space<hbm>>) dst(%arg7 : memref<40x512xf32, #tpu.memory_space<vmem>>)
    %dma_start3A_57 = arith.constant 1 : i32
    %dma_start3A_58 = arith.constant 0 : i32
    %dma_start3A_59 = arith.constant 0 : i32
    %dma_start3A_60 = tpu.memref_slice %arg4[%add3A, %dma_start3A_57, %dma_start3A_58, %dma_start3A_59] : memref<32x160x40x512xf32, #tpu.memory_space<hbm>> -> memref<1x1x40x512xf32, #tpu.memory_space<hbm>>
    %dma_start3A_61 = tpu.memref_squeeze %dma_start3A_60 : memref<1x1x40x512xf32, #tpu.memory_space<hbm>> -> memref<40x512xf32, #tpu.memory_space<hbm>>
    %dma_start3A_62 = arith.constant 0 : i32
    %dma_start3A_63 = arith.constant 0 : i32
    %dma_start3A_64 = tpu.memref_slice %arg4[%add3A, %dma_start3A_57, %dma_start3A_62, %dma_start3A_63] : memref<32x160x40x512xf32, #tpu.memory_space<hbm>> -> memref<1x1x40x512xf32, #tpu.memory_space<hbm>>
    %dma_start3A_65 = tpu.memref_squeeze %dma_start3A_64 : memref<1x1x40x512xf32, #tpu.memory_space<hbm>> -> memref<40x512xf32, #tpu.memory_space<hbm>>
    tpu.enqueue_dma source(%arg7 : memref<40x512xf32, #tpu.memory_space<vmem>>) target(%dma_start3A_65 : memref<40x512xf32, #tpu.memory_space<hbm>>) target_semaphore(%arg17 : memref<!tpu.dma_semaphore, #tpu.memory_space<semaphore_mem>>)
    %dma_wait3A_66 = arith.constant 0 : i32
    %dma_wait3A_67 = arith.constant 0 : i32
    %dma_wait3A_68 = arith.constant 0 : i32
    %dma_wait3A_69 = tpu.memref_slice %arg4[%add3A, %dma_wait3A_66, %dma_wait3A_67, %dma_wait3A_68] : memref<32x160x40x512xf32, #tpu.memory_space<hbm>> -> memref<1x1x40x512xf32, #tpu.memory_space<hbm>>
    %dma_wait3A_70 = tpu.memref_squeeze %dma_wait3A_69 : memref<1x1x40x512xf32, #tpu.memory_space<hbm>> -> memref<40x512xf32, #tpu.memory_space<hbm>>
    %dma_wait3A_71 = arith.constant 0 : i32
    %dma_wait3A_72 = arith.constant 0 : i32
    %dma_wait3A_73 = tpu.memref_slice %arg4[%add3A, %dma_wait3A_66, %dma_wait3A_71, %dma_wait3A_72] : memref<32x160x40x512xf32, #tpu.memory_space<hbm>> -> memref<1x1x40x512xf32, #tpu.memory_space<hbm>>
    %dma_wait3A_74 = tpu.memref_squeeze %dma_wait3A_73 : memref<1x1x40x512xf32, #tpu.memory_space<hbm>> -> memref<40x512xf32, #tpu.memory_space<hbm>>
    tpu.wait_dma2 semaphore(%arg16 : memref<!tpu.dma_semaphore, #tpu.memory_space<semaphore_mem>>) src(%arg6 : memref<40x512xf32, #tpu.memory_space<vmem>>) dst(%dma_wait3A_74 : memref<40x512xf32, #tpu.memory_space<hbm>>)
    %dma_start3A_75 = arith.constant 5 : i32
    %dma_start3A_76 = arith.constant 0 : i32
    %dma_start3A_77 = tpu.memref_slice %arg5[%dma_start3A_75, %dma_start3A_76] : memref<160x40xi32, #tpu.memory_space<vmem>> -> memref<1x40xi32, #tpu.memory_space<vmem>>
    %dma_start3A_78 = tpu.memref_squeeze %dma_start3A_77 : memref<1x40xi32, #tpu.memory_space<vmem>> -> memref<40xi32, #tpu.memory_space<vmem>>
    %dma_start3A_79 = arith.constant 0 : i32
    %dma_start3A_80 = arith.constant 0 : i32
    %dma_start3A_81 = tpu.memref_slice %arg2[%dma_start3A_79, %dma_start3A_80] : memref<100000x512xf32, #tpu.memory_space<hbm>> -> memref<100000x512xf32, #tpu.memory_space<hbm>>
    tpu.enqueue_indirect_dma source(%dma_start3A_81 : memref<100000x512xf32, #tpu.memory_space<hbm>>) target(%arg6 : memref<40x512xf32, #tpu.memory_space<vmem>>) offsets(%dma_start3A_78 : memref<40xi32, #tpu.memory_space<vmem>>) semaphore(%arg11 : memref<!tpu.dma_semaphore, #tpu.memory_space<semaphore_mem>>)
    %dma_wait3A_82 = arith.constant 2 : i32
    %dma_wait3A_83 = arith.constant 0 : i32
    %dma_wait3A_84 = tpu.memref_slice %arg5[%dma_wait3A_82, %dma_wait3A_83] : memref<160x40xi32, #tpu.memory_space<vmem>> -> memref<1x40xi32, #tpu.memory_space<vmem>>
    %dma_wait3A_85 = tpu.memref_squeeze %dma_wait3A_84 : memref<1x40xi32, #tpu.memory_space<vmem>> -> memref<40xi32, #tpu.memory_space<vmem>>
    %dma_wait3A_86 = arith.constant 0 : i32
    %dma_wait3A_87 = arith.constant 0 : i32
    %dma_wait3A_88 = tpu.memref_slice %arg2[%dma_wait3A_86, %dma_wait3A_87] : memref<100000x512xf32, #tpu.memory_space<hbm>> -> memref<100000x512xf32, #tpu.memory_space<hbm>>
    tpu.wait_indirect_dma semaphore(%arg13 : memref<!tpu.dma_semaphore, #tpu.memory_space<semaphore_mem>>) src(%dma_wait3A_88 : memref<100000x512xf32, #tpu.memory_space<hbm>>) dst(%arg8 : memref<40x512xf32, #tpu.memory_space<vmem>>)
    %dma_start3A_89 = arith.constant 2 : i32
    %dma_start3A_90 = arith.constant 0 : i32
    %dma_start3A_91 = arith.constant 0 : i32
    %dma_start3A_92 = tpu.memref_slice %arg4[%add3A, %dma_start3A_89, %dma_start3A_90, %dma_start3A_91] : memref<32x160x40x512xf32, #tpu.memory_space<hbm>> -> memref<1x1x40x512xf32, #tpu.memory_space<hbm>>
    %dma_start3A_93 = tpu.memref_squeeze %dma_start3A_92 : memref<1x1x40x512xf32, #tpu.memory_space<hbm>> -> memref<40x512xf32, #tpu.memory_space<hbm>>
    %dma_start3A_94 = arith.constant 0 : i32
    %dma_start3A_95 = arith.constant 0 : i32
    %dma_start3A_96 = tpu.memref_slice %arg4[%add3A, %dma_start3A_89, %dma_start3A_94, %dma_start3A_95] : memref<32x160x40x512xf32, #tpu.memory_space<hbm>> -> memref<1x1x40x512xf32, #tpu.memory_space<hbm>>
    %dma_start3A_97 = tpu.memref_squeeze %dma_start3A_96 : memref<1x1x40x512xf32, #tpu.memory_space<hbm>> -> memref<40x512xf32, #tpu.memory_space<hbm>>
    tpu.enqueue_dma source(%arg8 : memref<40x512xf32, #tpu.memory_space<vmem>>) target(%dma_start3A_97 : memref<40x512xf32, #tpu.memory_space<hbm>>) target_semaphore(%arg18 : memref<!tpu.dma_semaphore, #tpu.memory_space<semaphore_mem>>)
    %dma_wait3A_98 = arith.constant 1 : i32
    %dma_wait3A_99 = arith.constant 0 : i32
    %dma_wait3A_100 = arith.constant 0 : i32
    %dma_wait3A_101 = tpu.memref_slice %arg4[%add3A, %dma_wait3A_98, %dma_wait3A_99, %dma_wait3A_100] : memref<32x160x40x512xf32, #tpu.memory_space<hbm>> -> memref<1x1x40x512xf32, #tpu.memory_space<hbm>>
    %dma_wait3A_102 = tpu.memref_squeeze %dma_wait3A_101 : memref<1x1x40x512xf32, #tpu.memory_space<hbm>> -> memref<40x512xf32, #tpu.memory_space<hbm>>
    %dma_wait3A_103 = arith.constant 0 : i32
    %dma_wait3A_104 = arith.constant 0 : i32
    %dma_wait3A_105 = tpu.memref_slice %arg4[%add3A, %dma_wait3A_98, %dma_wait3A_103, %dma_wait3A_104] : memref<32x160x40x512xf32, #tpu.memory_space<hbm>> -> memref<1x1x40x512xf32, #tpu.memory_space<hbm>>
    %dma_wait3A_106 = tpu.memref_squeeze %dma_wait3A_105 : memref<1x1x40x512xf32, #tpu.memory_space<hbm>> -> memref<40x512xf32, #tpu.memory_space<hbm>>
    tpu.wait_dma2 semaphore(%arg17 : memref<!tpu.dma_semaphore, #tpu.memory_space<semaphore_mem>>) src(%arg7 : memref<40x512xf32, #tpu.memory_space<vmem>>) dst(%dma_wait3A_106 : memref<40x512xf32, #tpu.memory_space<hbm>>)
    %dma_start3A_107 = arith.constant 6 : i32
    %dma_start3A_108 = arith.constant 0 : i32
    %dma_start3A_109 = tpu.memref_slice %arg5[%dma_start3A_107, %dma_start3A_108] : memref<160x40xi32, #tpu.memory_space<vmem>> -> memref<1x40xi32, #tpu.memory_space<vmem>>
    %dma_start3A_110 = tpu.memref_squeeze %dma_start3A_109 : memref<1x40xi32, #tpu.memory_space<vmem>> -> memref<40xi32, #tpu.memory_space<vmem>>
    %dma_start3A_111 = arith.constant 0 : i32
    %dma_start3A_112 = arith.constant 0 : i32
    %dma_start3A_113 = tpu.memref_slice %arg2[%dma_start3A_111, %dma_start3A_112] : memref<100000x512xf32, #tpu.memory_space<hbm>> -> memref<100000x512xf32, #tpu.memory_space<hbm>>
    tpu.enqueue_indirect_dma source(%dma_start3A_113 : memref<100000x512xf32, #tpu.memory_space<hbm>>) target(%arg7 : memref<40x512xf32, #tpu.memory_space<vmem>>) offsets(%dma_start3A_110 : memref<40xi32, #tpu.memory_space<vmem>>) semaphore(%arg12 : memref<!tpu.dma_semaphore, #tpu.memory_space<semaphore_mem>>)
    %dma_wait3A_114 = arith.constant 3 : i32
    %dma_wait3A_115 = arith.constant 0 : i32
    %dma_wait3A_116 = tpu.memref_slice %arg5[%dma_wait3A_114, %dma_wait3A_115] : memref<160x40xi32, #tpu.memory_space<vmem>> -> memref<1x40xi32, #tpu.memory_space<vmem>>
    %dma_wait3A_117 = tpu.memref_squeeze %dma_wait3A_116 : memref<1x40xi32, #tpu.memory_space<vmem>> -> memref<40xi32, #tpu.memory_space<vmem>>
    %dma_wait3A_118 = arith.constant 0 : i32
    %dma_wait3A_119 = arith.constant 0 : i32
    %dma_wait3A_120 = tpu.memref_slice %arg2[%dma_wait3A_118, %dma_wait3A_119] : memref<100000x512xf32, #tpu.memory_space<hbm>> -> memref<100000x512xf32, #tpu.memory_space<hbm>>
    tpu.wait_indirect_dma semaphore(%arg14 : memref<!tpu.dma_semaphore, #tpu.memory_space<semaphore_mem>>) src(%dma_wait3A_120 : memref<100000x512xf32, #tpu.memory_space<hbm>>) dst(%arg9 : memref<40x512xf32, #tpu.memory_space<vmem>>)
    %dma_start3A_121 = arith.constant 3 : i32
    %dma_start3A_122 = arith.constant 0 : i32
    %dma_start3A_123 = arith.constant 0 : i32
    %dma_start3A_124 = tpu.memref_slice %arg4[%add3A, %dma_start3A_121, %dma_start3A_122, %dma_start3A_123] : memref<32x160x40x512xf32, #tpu.memory_space<hbm>> -> memref<1x1x40x512xf32, #tpu.memory_space<hbm>>
    %dma_start3A_125 = tpu.memref_squeeze %dma_start3A_124 : memref<1x1x40x512xf32, #tpu.memory_space<hbm>> -> memref<40x512xf32, #tpu.memory_space<hbm>>
    %dma_start3A_126 = arith.constant 0 : i32
    %dma_start3A_127 = arith.constant 0 : i32
    %dma_start3A_128 = tpu.memref_slice %arg4[%add3A, %dma_start3A_121, %dma_start3A_126, %dma_start3A_127] : memref<32x160x40x512xf32, #tpu.memory_space<hbm>> -> memref<1x1x40x512xf32, #tpu.memory_space<hbm>>
    %dma_start3A_129 = tpu.memref_squeeze %dma_start3A_128 : memref<1x1x40x512xf32, #tpu.memory_space<hbm>> -> memref<40x512xf32, #tpu.memory_space<hbm>>
    tpu.enqueue_dma source(%arg9 : memref<40x512xf32, #tpu.memory_space<vmem>>) target(%dma_start3A_129 : memref<40x512xf32, #tpu.memory_space<hbm>>) target_semaphore(%arg19 : memref<!tpu.dma_semaphore, #tpu.memory_space<semaphore_mem>>)
    %dma_wait3A_130 = arith.constant 2 : i32
    %dma_wait3A_131 = arith.constant 0 : i32
    %dma_wait3A_132 = arith.constant 0 : i32
    %dma_wait3A_133 = tpu.memref_slice %arg4[%add3A, %dma_wait3A_130, %dma_wait3A_131, %dma_wait3A_132] : memref<32x160x40x512xf32, #tpu.memory_space<hbm>> -> memref<1x1x40x512xf32, #tpu.memory_space<hbm>>
    %dma_wait3A_134 = tpu.memref_squeeze %dma_wait3A_133 : memref<1x1x40x512xf32, #tpu.memory_space<hbm>> -> memref<40x512xf32, #tpu.memory_space<hbm>>
    %dma_wait3A_135 = arith.constant 0 : i32
    %dma_wait3A_136 = arith.constant 0 : i32
    %dma_wait3A_137 = tpu.memref_slice %arg4[%add3A, %dma_wait3A_130, %dma_wait3A_135, %dma_wait3A_136] : memref<32x160x40x512xf32, #tpu.memory_space<hbm>> -> memref<1x1x40x512xf32, #tpu.memory_space<hbm>>
    %dma_wait3A_138 = tpu.memref_squeeze %dma_wait3A_137 : memref<1x1x40x512xf32, #tpu.memory_space<hbm>> -> memref<40x512xf32, #tpu.memory_space<hbm>>
    tpu.wait_dma2 semaphore(%arg18 : memref<!tpu.dma_semaphore, #tpu.memory_space<semaphore_mem>>) src(%arg8 : memref<40x512xf32, #tpu.memory_space<vmem>>) dst(%dma_wait3A_138 : memref<40x512xf32, #tpu.memory_space<hbm>>)
    %dma_start3A_139 = arith.constant 7 : i32
    %dma_start3A_140 = arith.constant 0 : i32
    %dma_start3A_141 = tpu.memref_slice %arg5[%dma_start3A_139, %dma_start3A_140] : memref<160x40xi32, #tpu.memory_space<vmem>> -> memref<1x40xi32, #tpu.memory_space<vmem>>
    %dma_start3A_142 = tpu.memref_squeeze %dma_start3A_141 : memref<1x40xi32, #tpu.memory_space<vmem>> -> memref<40xi32, #tpu.memory_space<vmem>>
    %dma_start3A_143 = arith.constant 0 : i32
    %dma_start3A_144 = arith.constant 0 : i32
    %dma_start3A_145 = tpu.memref_slice %arg2[%dma_start3A_143, %dma_start3A_144] : memref<100000x512xf32, #tpu.memory_space<hbm>> -> memref<100000x512xf32, #tpu.memory_space<hbm>>
    tpu.enqueue_indirect_dma source(%dma_start3A_145 : memref<100000x512xf32, #tpu.memory_space<hbm>>) target(%arg8 : memref<40x512xf32, #tpu.memory_space<vmem>>) offsets(%dma_start3A_142 : memref<40xi32, #tpu.memory_space<vmem>>) semaphore(%arg13 : memref<!tpu.dma_semaphore, #tpu.memory_space<semaphore_mem>>)
    %dma_wait3A_146 = arith.constant 4 : i32
    %dma_wait3A_147 = arith.constant 0 : i32
    %dma_wait3A_148 = tpu.memref_slice %arg5[%dma_wait3A_146, %dma_wait3A_147] : memref<160x40xi32, #tpu.memory_space<vmem>> -> memref<1x40xi32, #tpu.memory_space<vmem>>
    %dma_wait3A_149 = tpu.memref_squeeze %dma_wait3A_148 : memref<1x40xi32, #tpu.memory_space<vmem>> -> memref<40xi32, #tpu.memory_space<vmem>>
    %dma_wait3A_150 = arith.constant 0 : i32
    %dma_wait3A_151 = arith.constant 0 : i32
    %dma_wait3A_152 = tpu.memref_slice %arg2[%dma_wait3A_150, %dma_wait3A_151] : memref<100000x512xf32, #tpu.memory_space<hbm>> -> memref<100000x512xf32, #tpu.memory_space<hbm>>
    tpu.wait_indirect_dma semaphore(%arg15 : memref<!tpu.dma_semaphore, #tpu.memory_space<semaphore_mem>>) src(%dma_wait3A_152 : memref<100000x512xf32, #tpu.memory_space<hbm>>) dst(%arg10 : memref<40x512xf32, #tpu.memory_space<vmem>>)
    %dma_start3A_153 = arith.constant 4 : i32
    %dma_start3A_154 = arith.constant 0 : i32
    %dma_start3A_155 = arith.constant 0 : i32
    %dma_start3A_156 = tpu.memref_slice %arg4[%add3A, %dma_start3A_153, %dma_start3A_154, %dma_start3A_155] : memref<32x160x40x512xf32, #tpu.memory_space<hbm>> -> memref<1x1x40x512xf32, #tpu.memory_space<hbm>>
    %dma_start3A_157 = tpu.memref_squeeze %dma_start3A_156 : memref<1x1x40x512xf32, #tpu.memory_space<hbm>> -> memref<40x512xf32, #tpu.memory_space<hbm>>
    %dma_start3A_158 = arith.constant 0 : i32
    %dma_start3A_159 = arith.constant 0 : i32
    %dma_start3A_160 = tpu.memref_slice %arg4[%add3A, %dma_start3A_153, %dma_start3A_158, %dma_start3A_159] : memref<32x160x40x512xf32, #tpu.memory_space<hbm>> -> memref<1x1x40x512xf32, #tpu.memory_space<hbm>>
    %dma_start3A_161 = tpu.memref_squeeze %dma_start3A_160 : memref<1x1x40x512xf32, #tpu.memory_space<hbm>> -> memref<40x512xf32, #tpu.memory_space<hbm>>
    tpu.enqueue_dma source(%arg10 : memref<40x512xf32, #tpu.memory_space<vmem>>) target(%dma_start3A_161 : memref<40x512xf32, #tpu.memory_space<hbm>>) target_semaphore(%arg20 : memref<!tpu.dma_semaphore, #tpu.memory_space<semaphore_mem>>)
    %dma_wait3A_162 = arith.constant 3 : i32
    %dma_wait3A_163 = arith.constant 0 : i32
    %dma_wait3A_164 = arith.constant 0 : i32
    %dma_wait3A_165 = tpu.memref_slice %arg4[%add3A, %dma_wait3A_162, %dma_wait3A_163, %dma_wait3A_164] : memref<32x160x40x512xf32, #tpu.memory_space<hbm>> -> memref<1x1x40x512xf32, #tpu.memory_space<hbm>>
    %dma_wait3A_166 = tpu.memref_squeeze %dma_wait3A_165 : memref<1x1x40x512xf32, #tpu.memory_space<hbm>> -> memref<40x512xf32, #tpu.memory_space<hbm>>
    %dma_wait3A_167 = arith.constant 0 : i32
    %dma_wait3A_168 = arith.constant 0 : i32
    %dma_wait3A_169 = tpu.memref_slice %arg4[%add3A, %dma_wait3A_162, %dma_wait3A_167, %dma_wait3A_168] : memref<32x160x40x512xf32, #tpu.memory_space<hbm>> -> memref<1x1x40x512xf32, #tpu.memory_space<hbm>>
    %dma_wait3A_170 = tpu.memref_squeeze %dma_wait3A_169 : memref<1x1x40x512xf32, #tpu.memory_space<hbm>> -> memref<40x512xf32, #tpu.memory_space<hbm>>
    tpu.wait_dma2 semaphore(%arg19 : memref<!tpu.dma_semaphore, #tpu.memory_space<semaphore_mem>>) src(%arg9 : memref<40x512xf32, #tpu.memory_space<vmem>>) dst(%dma_wait3A_170 : memref<40x512xf32, #tpu.memory_space<hbm>>)
    %dma_start3A_171 = arith.constant 8 : i32
    %dma_start3A_172 = arith.constant 0 : i32
    %dma_start3A_173 = tpu.memref_slice %arg5[%dma_start3A_171, %dma_start3A_172] : memref<160x40xi32, #tpu.memory_space<vmem>> -> memref<1x40xi32, #tpu.memory_space<vmem>>
    %dma_start3A_174 = tpu.memref_squeeze %dma_start3A_173 : memref<1x40xi32, #tpu.memory_space<vmem>> -> memref<40xi32, #tpu.memory_space<vmem>>
    %dma_start3A_175 = arith.constant 0 : i32
    %dma_start3A_176 = arith.constant 0 : i32
    %dma_start3A_177 = tpu.memref_slice %arg2[%dma_start3A_175, %dma_start3A_176] : memref<100000x512xf32, #tpu.memory_space<hbm>> -> memref<100000x512xf32, #tpu.memory_space<hbm>>
    tpu.enqueue_indirect_dma source(%dma_start3A_177 : memref<100000x512xf32, #tpu.memory_space<hbm>>) target(%arg9 : memref<40x512xf32, #tpu.memory_space<vmem>>) offsets(%dma_start3A_174 : memref<40xi32, #tpu.memory_space<vmem>>) semaphore(%arg14 : memref<!tpu.dma_semaphore, #tpu.memory_space<semaphore_mem>>)
    %scan3A = arith.constant 0 : i32
    %scan3A_178 = arith.constant 30 : i32
    %scan3A_179 = arith.addi %scan3A, %scan3A_178 : i32
    %scan3A_180 = arith.constant 1 : i32
    scf.for %scan3A_323 = %scan3A to %scan3A_179 step %scan3A_180  : i32 {
      %mul3A_324 = arith.constant 5 : i32
      %mul3A_325 = arith.muli %scan3A_323, %mul3A_324 : i32
      %add3A_326 = arith.constant 5 : i32
      %add3A_327 = arith.addi %add3A_326, %mul3A_325 : i32
      %add3A_328 = arith.constant 0 : i32
      %add3A_329 = arith.addi %add3A_327, %add3A_328 : i32
      %dma_wait3A_330 = arith.constant 0 : i32
      %dma_wait3A_331 = tpu.memref_slice %arg5[%add3A_329, %dma_wait3A_330] : memref<160x40xi32, #tpu.memory_space<vmem>> -> memref<1x40xi32, #tpu.memory_space<vmem>>
      %dma_wait3A_332 = tpu.memref_squeeze %dma_wait3A_331 : memref<1x40xi32, #tpu.memory_space<vmem>> -> memref<40xi32, #tpu.memory_space<vmem>>
      %dma_wait3A_333 = arith.constant 0 : i32
      %dma_wait3A_334 = arith.constant 0 : i32
      %dma_wait3A_335 = tpu.memref_slice %arg2[%dma_wait3A_333, %dma_wait3A_334] : memref<100000x512xf32, #tpu.memory_space<hbm>> -> memref<100000x512xf32, #tpu.memory_space<hbm>>
      tpu.wait_indirect_dma semaphore(%arg11 : memref<!tpu.dma_semaphore, #tpu.memory_space<semaphore_mem>>) src(%dma_wait3A_335 : memref<100000x512xf32, #tpu.memory_space<hbm>>) dst(%arg6 : memref<40x512xf32, #tpu.memory_space<vmem>>)
      %add3A_336 = arith.constant 0 : i32
      %add3A_337 = arith.addi %add3A_327, %add3A_336 : i32
      %dma_start3A_338 = arith.constant 0 : i32
      %dma_start3A_339 = arith.constant 0 : i32
      %dma_start3A_340 = tpu.memref_slice %arg4[%add3A, %add3A_337, %dma_start3A_338, %dma_start3A_339] : memref<32x160x40x512xf32, #tpu.memory_space<hbm>> -> memref<1x1x40x512xf32, #tpu.memory_space<hbm>>
      %dma_start3A_341 = tpu.memref_squeeze %dma_start3A_340 : memref<1x1x40x512xf32, #tpu.memory_space<hbm>> -> memref<40x512xf32, #tpu.memory_space<hbm>>
      %dma_start3A_342 = arith.constant 0 : i32
      %dma_start3A_343 = arith.constant 0 : i32
      %dma_start3A_344 = tpu.memref_slice %arg4[%add3A, %add3A_337, %dma_start3A_342, %dma_start3A_343] : memref<32x160x40x512xf32, #tpu.memory_space<hbm>> -> memref<1x1x40x512xf32, #tpu.memory_space<hbm>>
      %dma_start3A_345 = tpu.memref_squeeze %dma_start3A_344 : memref<1x1x40x512xf32, #tpu.memory_space<hbm>> -> memref<40x512xf32, #tpu.memory_space<hbm>>
      tpu.enqueue_dma source(%arg6 : memref<40x512xf32, #tpu.memory_space<vmem>>) target(%dma_start3A_345 : memref<40x512xf32, #tpu.memory_space<hbm>>) target_semaphore(%arg16 : memref<!tpu.dma_semaphore, #tpu.memory_space<semaphore_mem>>)
      %add3A_346 = arith.constant 0 : i32
      %add3A_347 = arith.addi %add3A_327, %add3A_346 : i32
      %sub3A = arith.constant 1 : i32
      %sub3A_348 = arith.subi %add3A_347, %sub3A : i32
      %dma_wait3A_349 = arith.constant 0 : i32
      %dma_wait3A_350 = arith.constant 0 : i32
      %dma_wait3A_351 = tpu.memref_slice %arg4[%add3A, %sub3A_348, %dma_wait3A_349, %dma_wait3A_350] : memref<32x160x40x512xf32, #tpu.memory_space<hbm>> -> memref<1x1x40x512xf32, #tpu.memory_space<hbm>>
      %dma_wait3A_352 = tpu.memref_squeeze %dma_wait3A_351 : memref<1x1x40x512xf32, #tpu.memory_space<hbm>> -> memref<40x512xf32, #tpu.memory_space<hbm>>
      %dma_wait3A_353 = arith.constant 0 : i32
      %dma_wait3A_354 = arith.constant 0 : i32
      %dma_wait3A_355 = tpu.memref_slice %arg4[%add3A, %sub3A_348, %dma_wait3A_353, %dma_wait3A_354] : memref<32x160x40x512xf32, #tpu.memory_space<hbm>> -> memref<1x1x40x512xf32, #tpu.memory_space<hbm>>
      %dma_wait3A_356 = tpu.memref_squeeze %dma_wait3A_355 : memref<1x1x40x512xf32, #tpu.memory_space<hbm>> -> memref<40x512xf32, #tpu.memory_space<hbm>>
      tpu.wait_dma2 semaphore(%arg20 : memref<!tpu.dma_semaphore, #tpu.memory_space<semaphore_mem>>) src(%arg10 : memref<40x512xf32, #tpu.memory_space<vmem>>) dst(%dma_wait3A_356 : memref<40x512xf32, #tpu.memory_space<hbm>>)
      %add3A_357 = arith.constant 0 : i32
      %add3A_358 = arith.addi %add3A_327, %add3A_357 : i32
      %sub3A_359 = arith.constant 1 : i32
      %sub3A_360 = arith.subi %add3A_358, %sub3A_359 : i32
      %add3A_361 = arith.constant 5 : i32
      %add3A_362 = arith.addi %sub3A_360, %add3A_361 : i32
      %dma_start3A_363 = arith.constant 0 : i32
      %dma_start3A_364 = tpu.memref_slice %arg5[%add3A_362, %dma_start3A_363] : memref<160x40xi32, #tpu.memory_space<vmem>> -> memref<1x40xi32, #tpu.memory_space<vmem>>
      %dma_start3A_365 = tpu.memref_squeeze %dma_start3A_364 : memref<1x40xi32, #tpu.memory_space<vmem>> -> memref<40xi32, #tpu.memory_space<vmem>>
      %dma_start3A_366 = arith.constant 0 : i32
      %dma_start3A_367 = arith.constant 0 : i32
      %dma_start3A_368 = tpu.memref_slice %arg2[%dma_start3A_366, %dma_start3A_367] : memref<100000x512xf32, #tpu.memory_space<hbm>> -> memref<100000x512xf32, #tpu.memory_space<hbm>>
      tpu.enqueue_indirect_dma source(%dma_start3A_368 : memref<100000x512xf32, #tpu.memory_space<hbm>>) target(%arg10 : memref<40x512xf32, #tpu.memory_space<vmem>>) offsets(%dma_start3A_365 : memref<40xi32, #tpu.memory_space<vmem>>) semaphore(%arg15 : memref<!tpu.dma_semaphore, #tpu.memory_space<semaphore_mem>>)
      %add3A_369 = arith.constant 1 : i32
      %add3A_370 = arith.addi %add3A_327, %add3A_369 : i32
      %dma_wait3A_371 = arith.constant 0 : i32
      %dma_wait3A_372 = tpu.memref_slice %arg5[%add3A_370, %dma_wait3A_371] : memref<160x40xi32, #tpu.memory_space<vmem>> -> memref<1x40xi32, #tpu.memory_space<vmem>>
      %dma_wait3A_373 = tpu.memref_squeeze %dma_wait3A_372 : memref<1x40xi32, #tpu.memory_space<vmem>> -> memref<40xi32, #tpu.memory_space<vmem>>
      %dma_wait3A_374 = arith.constant 0 : i32
      %dma_wait3A_375 = arith.constant 0 : i32
      %dma_wait3A_376 = tpu.memref_slice %arg2[%dma_wait3A_374, %dma_wait3A_375] : memref<100000x512xf32, #tpu.memory_space<hbm>> -> memref<100000x512xf32, #tpu.memory_space<hbm>>
      tpu.wait_indirect_dma semaphore(%arg12 : memref<!tpu.dma_semaphore, #tpu.memory_space<semaphore_mem>>) src(%dma_wait3A_376 : memref<100000x512xf32, #tpu.memory_space<hbm>>) dst(%arg7 : memref<40x512xf32, #tpu.memory_space<vmem>>)
      %add3A_377 = arith.constant 1 : i32
      %add3A_378 = arith.addi %add3A_327, %add3A_377 : i32
      %dma_start3A_379 = arith.constant 0 : i32
      %dma_start3A_380 = arith.constant 0 : i32
      %dma_start3A_381 = tpu.memref_slice %arg4[%add3A, %add3A_378, %dma_start3A_379, %dma_start3A_380] : memref<32x160x40x512xf32, #tpu.memory_space<hbm>> -> memref<1x1x40x512xf32, #tpu.memory_space<hbm>>
      %dma_start3A_382 = tpu.memref_squeeze %dma_start3A_381 : memref<1x1x40x512xf32, #tpu.memory_space<hbm>> -> memref<40x512xf32, #tpu.memory_space<hbm>>
      %dma_start3A_383 = arith.constant 0 : i32
      %dma_start3A_384 = arith.constant 0 : i32
      %dma_start3A_385 = tpu.memref_slice %arg4[%add3A, %add3A_378, %dma_start3A_383, %dma_start3A_384] : memref<32x160x40x512xf32, #tpu.memory_space<hbm>> -> memref<1x1x40x512xf32, #tpu.memory_space<hbm>>
      %dma_start3A_386 = tpu.memref_squeeze %dma_start3A_385 : memref<1x1x40x512xf32, #tpu.memory_space<hbm>> -> memref<40x512xf32, #tpu.memory_space<hbm>>
      tpu.enqueue_dma source(%arg7 : memref<40x512xf32, #tpu.memory_space<vmem>>) target(%dma_start3A_386 : memref<40x512xf32, #tpu.memory_space<hbm>>) target_semaphore(%arg17 : memref<!tpu.dma_semaphore, #tpu.memory_space<semaphore_mem>>)
      %add3A_387 = arith.constant 1 : i32
      %add3A_388 = arith.addi %add3A_327, %add3A_387 : i32
      %sub3A_389 = arith.constant 1 : i32
      %sub3A_390 = arith.subi %add3A_388, %sub3A_389 : i32
      %dma_wait3A_391 = arith.constant 0 : i32
      %dma_wait3A_392 = arith.constant 0 : i32
      %dma_wait3A_393 = tpu.memref_slice %arg4[%add3A, %sub3A_390, %dma_wait3A_391, %dma_wait3A_392] : memref<32x160x40x512xf32, #tpu.memory_space<hbm>> -> memref<1x1x40x512xf32, #tpu.memory_space<hbm>>
      %dma_wait3A_394 = tpu.memref_squeeze %dma_wait3A_393 : memref<1x1x40x512xf32, #tpu.memory_space<hbm>> -> memref<40x512xf32, #tpu.memory_space<hbm>>
      %dma_wait3A_395 = arith.constant 0 : i32
      %dma_wait3A_396 = arith.constant 0 : i32
      %dma_wait3A_397 = tpu.memref_slice %arg4[%add3A, %sub3A_390, %dma_wait3A_395, %dma_wait3A_396] : memref<32x160x40x512xf32, #tpu.memory_space<hbm>> -> memref<1x1x40x512xf32, #tpu.memory_space<hbm>>
      %dma_wait3A_398 = tpu.memref_squeeze %dma_wait3A_397 : memref<1x1x40x512xf32, #tpu.memory_space<hbm>> -> memref<40x512xf32, #tpu.memory_space<hbm>>
      tpu.wait_dma2 semaphore(%arg16 : memref<!tpu.dma_semaphore, #tpu.memory_space<semaphore_mem>>) src(%arg6 : memref<40x512xf32, #tpu.memory_space<vmem>>) dst(%dma_wait3A_398 : memref<40x512xf32, #tpu.memory_space<hbm>>)
      %add3A_399 = arith.constant 1 : i32
      %add3A_400 = arith.addi %add3A_327, %add3A_399 : i32
      %sub3A_401 = arith.constant 1 : i32
      %sub3A_402 = arith.subi %add3A_400, %sub3A_401 : i32
      %add3A_403 = arith.constant 5 : i32
      %add3A_404 = arith.addi %sub3A_402, %add3A_403 : i32
      %dma_start3A_405 = arith.constant 0 : i32
      %dma_start3A_406 = tpu.memref_slice %arg5[%add3A_404, %dma_start3A_405] : memref<160x40xi32, #tpu.memory_space<vmem>> -> memref<1x40xi32, #tpu.memory_space<vmem>>
      %dma_start3A_407 = tpu.memref_squeeze %dma_start3A_406 : memref<1x40xi32, #tpu.memory_space<vmem>> -> memref<40xi32, #tpu.memory_space<vmem>>
      %dma_start3A_408 = arith.constant 0 : i32
      %dma_start3A_409 = arith.constant 0 : i32
      %dma_start3A_410 = tpu.memref_slice %arg2[%dma_start3A_408, %dma_start3A_409] : memref<100000x512xf32, #tpu.memory_space<hbm>> -> memref<100000x512xf32, #tpu.memory_space<hbm>>
      tpu.enqueue_indirect_dma source(%dma_start3A_410 : memref<100000x512xf32, #tpu.memory_space<hbm>>) target(%arg6 : memref<40x512xf32, #tpu.memory_space<vmem>>) offsets(%dma_start3A_407 : memref<40xi32, #tpu.memory_space<vmem>>) semaphore(%arg11 : memref<!tpu.dma_semaphore, #tpu.memory_space<semaphore_mem>>)
      %add3A_411 = arith.constant 2 : i32
      %add3A_412 = arith.addi %add3A_327, %add3A_411 : i32
      %dma_wait3A_413 = arith.constant 0 : i32
      %dma_wait3A_414 = tpu.memref_slice %arg5[%add3A_412, %dma_wait3A_413] : memref<160x40xi32, #tpu.memory_space<vmem>> -> memref<1x40xi32, #tpu.memory_space<vmem>>
      %dma_wait3A_415 = tpu.memref_squeeze %dma_wait3A_414 : memref<1x40xi32, #tpu.memory_space<vmem>> -> memref<40xi32, #tpu.memory_space<vmem>>
      %dma_wait3A_416 = arith.constant 0 : i32
      %dma_wait3A_417 = arith.constant 0 : i32
      %dma_wait3A_418 = tpu.memref_slice %arg2[%dma_wait3A_416, %dma_wait3A_417] : memref<100000x512xf32, #tpu.memory_space<hbm>> -> memref<100000x512xf32, #tpu.memory_space<hbm>>
      tpu.wait_indirect_dma semaphore(%arg13 : memref<!tpu.dma_semaphore, #tpu.memory_space<semaphore_mem>>) src(%dma_wait3A_418 : memref<100000x512xf32, #tpu.memory_space<hbm>>) dst(%arg8 : memref<40x512xf32, #tpu.memory_space<vmem>>)
      %add3A_419 = arith.constant 2 : i32
      %add3A_420 = arith.addi %add3A_327, %add3A_419 : i32
      %dma_start3A_421 = arith.constant 0 : i32
      %dma_start3A_422 = arith.constant 0 : i32
      %dma_start3A_423 = tpu.memref_slice %arg4[%add3A, %add3A_420, %dma_start3A_421, %dma_start3A_422] : memref<32x160x40x512xf32, #tpu.memory_space<hbm>> -> memref<1x1x40x512xf32, #tpu.memory_space<hbm>>
      %dma_start3A_424 = tpu.memref_squeeze %dma_start3A_423 : memref<1x1x40x512xf32, #tpu.memory_space<hbm>> -> memref<40x512xf32, #tpu.memory_space<hbm>>
      %dma_start3A_425 = arith.constant 0 : i32
      %dma_start3A_426 = arith.constant 0 : i32
      %dma_start3A_427 = tpu.memref_slice %arg4[%add3A, %add3A_420, %dma_start3A_425, %dma_start3A_426] : memref<32x160x40x512xf32, #tpu.memory_space<hbm>> -> memref<1x1x40x512xf32, #tpu.memory_space<hbm>>
      %dma_start3A_428 = tpu.memref_squeeze %dma_start3A_427 : memref<1x1x40x512xf32, #tpu.memory_space<hbm>> -> memref<40x512xf32, #tpu.memory_space<hbm>>
      tpu.enqueue_dma source(%arg8 : memref<40x512xf32, #tpu.memory_space<vmem>>) target(%dma_start3A_428 : memref<40x512xf32, #tpu.memory_space<hbm>>) target_semaphore(%arg18 : memref<!tpu.dma_semaphore, #tpu.memory_space<semaphore_mem>>)
      %add3A_429 = arith.constant 2 : i32
      %add3A_430 = arith.addi %add3A_327, %add3A_429 : i32
      %sub3A_431 = arith.constant 1 : i32
      %sub3A_432 = arith.subi %add3A_430, %sub3A_431 : i32
      %dma_wait3A_433 = arith.constant 0 : i32
      %dma_wait3A_434 = arith.constant 0 : i32
      %dma_wait3A_435 = tpu.memref_slice %arg4[%add3A, %sub3A_432, %dma_wait3A_433, %dma_wait3A_434] : memref<32x160x40x512xf32, #tpu.memory_space<hbm>> -> memref<1x1x40x512xf32, #tpu.memory_space<hbm>>
      %dma_wait3A_436 = tpu.memref_squeeze %dma_wait3A_435 : memref<1x1x40x512xf32, #tpu.memory_space<hbm>> -> memref<40x512xf32, #tpu.memory_space<hbm>>
      %dma_wait3A_437 = arith.constant 0 : i32
      %dma_wait3A_438 = arith.constant 0 : i32
      %dma_wait3A_439 = tpu.memref_slice %arg4[%add3A, %sub3A_432, %dma_wait3A_437, %dma_wait3A_438] : memref<32x160x40x512xf32, #tpu.memory_space<hbm>> -> memref<1x1x40x512xf32, #tpu.memory_space<hbm>>
      %dma_wait3A_440 = tpu.memref_squeeze %dma_wait3A_439 : memref<1x1x40x512xf32, #tpu.memory_space<hbm>> -> memref<40x512xf32, #tpu.memory_space<hbm>>
      tpu.wait_dma2 semaphore(%arg17 : memref<!tpu.dma_semaphore, #tpu.memory_space<semaphore_mem>>) src(%arg7 : memref<40x512xf32, #tpu.memory_space<vmem>>) dst(%dma_wait3A_440 : memref<40x512xf32, #tpu.memory_space<hbm>>)
      %add3A_441 = arith.constant 2 : i32
      %add3A_442 = arith.addi %add3A_327, %add3A_441 : i32
      %sub3A_443 = arith.constant 1 : i32
      %sub3A_444 = arith.subi %add3A_442, %sub3A_443 : i32
      %add3A_445 = arith.constant 5 : i32
      %add3A_446 = arith.addi %sub3A_444, %add3A_445 : i32
      %dma_start3A_447 = arith.constant 0 : i32
      %dma_start3A_448 = tpu.memref_slice %arg5[%add3A_446, %dma_start3A_447] : memref<160x40xi32, #tpu.memory_space<vmem>> -> memref<1x40xi32, #tpu.memory_space<vmem>>
      %dma_start3A_449 = tpu.memref_squeeze %dma_start3A_448 : memref<1x40xi32, #tpu.memory_space<vmem>> -> memref<40xi32, #tpu.memory_space<vmem>>
      %dma_start3A_450 = arith.constant 0 : i32
      %dma_start3A_451 = arith.constant 0 : i32
      %dma_start3A_452 = tpu.memref_slice %arg2[%dma_start3A_450, %dma_start3A_451] : memref<100000x512xf32, #tpu.memory_space<hbm>> -> memref<100000x512xf32, #tpu.memory_space<hbm>>
      tpu.enqueue_indirect_dma source(%dma_start3A_452 : memref<100000x512xf32, #tpu.memory_space<hbm>>) target(%arg7 : memref<40x512xf32, #tpu.memory_space<vmem>>) offsets(%dma_start3A_449 : memref<40xi32, #tpu.memory_space<vmem>>) semaphore(%arg12 : memref<!tpu.dma_semaphore, #tpu.memory_space<semaphore_mem>>)
      %add3A_453 = arith.constant 3 : i32
      %add3A_454 = arith.addi %add3A_327, %add3A_453 : i32
      %dma_wait3A_455 = arith.constant 0 : i32
      %dma_wait3A_456 = tpu.memref_slice %arg5[%add3A_454, %dma_wait3A_455] : memref<160x40xi32, #tpu.memory_space<vmem>> -> memref<1x40xi32, #tpu.memory_space<vmem>>
      %dma_wait3A_457 = tpu.memref_squeeze %dma_wait3A_456 : memref<1x40xi32, #tpu.memory_space<vmem>> -> memref<40xi32, #tpu.memory_space<vmem>>
      %dma_wait3A_458 = arith.constant 0 : i32
      %dma_wait3A_459 = arith.constant 0 : i32
      %dma_wait3A_460 = tpu.memref_slice %arg2[%dma_wait3A_458, %dma_wait3A_459] : memref<100000x512xf32, #tpu.memory_space<hbm>> -> memref<100000x512xf32, #tpu.memory_space<hbm>>
      tpu.wait_indirect_dma semaphore(%arg14 : memref<!tpu.dma_semaphore, #tpu.memory_space<semaphore_mem>>) src(%dma_wait3A_460 : memref<100000x512xf32, #tpu.memory_space<hbm>>) dst(%arg9 : memref<40x512xf32, #tpu.memory_space<vmem>>)
      %add3A_461 = arith.constant 3 : i32
      %add3A_462 = arith.addi %add3A_327, %add3A_461 : i32
      %dma_start3A_463 = arith.constant 0 : i32
      %dma_start3A_464 = arith.constant 0 : i32
      %dma_start3A_465 = tpu.memref_slice %arg4[%add3A, %add3A_462, %dma_start3A_463, %dma_start3A_464] : memref<32x160x40x512xf32, #tpu.memory_space<hbm>> -> memref<1x1x40x512xf32, #tpu.memory_space<hbm>>
      %dma_start3A_466 = tpu.memref_squeeze %dma_start3A_465 : memref<1x1x40x512xf32, #tpu.memory_space<hbm>> -> memref<40x512xf32, #tpu.memory_space<hbm>>
      %dma_start3A_467 = arith.constant 0 : i32
      %dma_start3A_468 = arith.constant 0 : i32
      %dma_start3A_469 = tpu.memref_slice %arg4[%add3A, %add3A_462, %dma_start3A_467, %dma_start3A_468] : memref<32x160x40x512xf32, #tpu.memory_space<hbm>> -> memref<1x1x40x512xf32, #tpu.memory_space<hbm>>
      %dma_start3A_470 = tpu.memref_squeeze %dma_start3A_469 : memref<1x1x40x512xf32, #tpu.memory_space<hbm>> -> memref<40x512xf32, #tpu.memory_space<hbm>>
      tpu.enqueue_dma source(%arg9 : memref<40x512xf32, #tpu.memory_space<vmem>>) target(%dma_start3A_470 : memref<40x512xf32, #tpu.memory_space<hbm>>) target_semaphore(%arg19 : memref<!tpu.dma_semaphore, #tpu.memory_space<semaphore_mem>>)
      %add3A_471 = arith.constant 3 : i32
      %add3A_472 = arith.addi %add3A_327, %add3A_471 : i32
      %sub3A_473 = arith.constant 1 : i32
      %sub3A_474 = arith.subi %add3A_472, %sub3A_473 : i32
      %dma_wait3A_475 = arith.constant 0 : i32
      %dma_wait3A_476 = arith.constant 0 : i32
      %dma_wait3A_477 = tpu.memref_slice %arg4[%add3A, %sub3A_474, %dma_wait3A_475, %dma_wait3A_476] : memref<32x160x40x512xf32, #tpu.memory_space<hbm>> -> memref<1x1x40x512xf32, #tpu.memory_space<hbm>>
      %dma_wait3A_478 = tpu.memref_squeeze %dma_wait3A_477 : memref<1x1x40x512xf32, #tpu.memory_space<hbm>> -> memref<40x512xf32, #tpu.memory_space<hbm>>
      %dma_wait3A_479 = arith.constant 0 : i32
      %dma_wait3A_480 = arith.constant 0 : i32
      %dma_wait3A_481 = tpu.memref_slice %arg4[%add3A, %sub3A_474, %dma_wait3A_479, %dma_wait3A_480] : memref<32x160x40x512xf32, #tpu.memory_space<hbm>> -> memref<1x1x40x512xf32, #tpu.memory_space<hbm>>
      %dma_wait3A_482 = tpu.memref_squeeze %dma_wait3A_481 : memref<1x1x40x512xf32, #tpu.memory_space<hbm>> -> memref<40x512xf32, #tpu.memory_space<hbm>>
      tpu.wait_dma2 semaphore(%arg18 : memref<!tpu.dma_semaphore, #tpu.memory_space<semaphore_mem>>) src(%arg8 : memref<40x512xf32, #tpu.memory_space<vmem>>) dst(%dma_wait3A_482 : memref<40x512xf32, #tpu.memory_space<hbm>>)
      %add3A_483 = arith.constant 3 : i32
      %add3A_484 = arith.addi %add3A_327, %add3A_483 : i32
      %sub3A_485 = arith.constant 1 : i32
      %sub3A_486 = arith.subi %add3A_484, %sub3A_485 : i32
      %add3A_487 = arith.constant 5 : i32
      %add3A_488 = arith.addi %sub3A_486, %add3A_487 : i32
      %dma_start3A_489 = arith.constant 0 : i32
      %dma_start3A_490 = tpu.memref_slice %arg5[%add3A_488, %dma_start3A_489] : memref<160x40xi32, #tpu.memory_space<vmem>> -> memref<1x40xi32, #tpu.memory_space<vmem>>
      %dma_start3A_491 = tpu.memref_squeeze %dma_start3A_490 : memref<1x40xi32, #tpu.memory_space<vmem>> -> memref<40xi32, #tpu.memory_space<vmem>>
      %dma_start3A_492 = arith.constant 0 : i32
      %dma_start3A_493 = arith.constant 0 : i32
      %dma_start3A_494 = tpu.memref_slice %arg2[%dma_start3A_492, %dma_start3A_493] : memref<100000x512xf32, #tpu.memory_space<hbm>> -> memref<100000x512xf32, #tpu.memory_space<hbm>>
      tpu.enqueue_indirect_dma source(%dma_start3A_494 : memref<100000x512xf32, #tpu.memory_space<hbm>>) target(%arg8 : memref<40x512xf32, #tpu.memory_space<vmem>>) offsets(%dma_start3A_491 : memref<40xi32, #tpu.memory_space<vmem>>) semaphore(%arg13 : memref<!tpu.dma_semaphore, #tpu.memory_space<semaphore_mem>>)
      %add3A_495 = arith.constant 4 : i32
      %add3A_496 = arith.addi %add3A_327, %add3A_495 : i32
      %dma_wait3A_497 = arith.constant 0 : i32
      %dma_wait3A_498 = tpu.memref_slice %arg5[%add3A_496, %dma_wait3A_497] : memref<160x40xi32, #tpu.memory_space<vmem>> -> memref<1x40xi32, #tpu.memory_space<vmem>>
      %dma_wait3A_499 = tpu.memref_squeeze %dma_wait3A_498 : memref<1x40xi32, #tpu.memory_space<vmem>> -> memref<40xi32, #tpu.memory_space<vmem>>
      %dma_wait3A_500 = arith.constant 0 : i32
      %dma_wait3A_501 = arith.constant 0 : i32
      %dma_wait3A_502 = tpu.memref_slice %arg2[%dma_wait3A_500, %dma_wait3A_501] : memref<100000x512xf32, #tpu.memory_space<hbm>> -> memref<100000x512xf32, #tpu.memory_space<hbm>>
      tpu.wait_indirect_dma semaphore(%arg15 : memref<!tpu.dma_semaphore, #tpu.memory_space<semaphore_mem>>) src(%dma_wait3A_502 : memref<100000x512xf32, #tpu.memory_space<hbm>>) dst(%arg10 : memref<40x512xf32, #tpu.memory_space<vmem>>)
      %add3A_503 = arith.constant 4 : i32
      %add3A_504 = arith.addi %add3A_327, %add3A_503 : i32
      %dma_start3A_505 = arith.constant 0 : i32
      %dma_start3A_506 = arith.constant 0 : i32
      %dma_start3A_507 = tpu.memref_slice %arg4[%add3A, %add3A_504, %dma_start3A_505, %dma_start3A_506] : memref<32x160x40x512xf32, #tpu.memory_space<hbm>> -> memref<1x1x40x512xf32, #tpu.memory_space<hbm>>
      %dma_start3A_508 = tpu.memref_squeeze %dma_start3A_507 : memref<1x1x40x512xf32, #tpu.memory_space<hbm>> -> memref<40x512xf32, #tpu.memory_space<hbm>>
      %dma_start3A_509 = arith.constant 0 : i32
      %dma_start3A_510 = arith.constant 0 : i32
      %dma_start3A_511 = tpu.memref_slice %arg4[%add3A, %add3A_504, %dma_start3A_509, %dma_start3A_510] : memref<32x160x40x512xf32, #tpu.memory_space<hbm>> -> memref<1x1x40x512xf32, #tpu.memory_space<hbm>>
      %dma_start3A_512 = tpu.memref_squeeze %dma_start3A_511 : memref<1x1x40x512xf32, #tpu.memory_space<hbm>> -> memref<40x512xf32, #tpu.memory_space<hbm>>
      tpu.enqueue_dma source(%arg10 : memref<40x512xf32, #tpu.memory_space<vmem>>) target(%dma_start3A_512 : memref<40x512xf32, #tpu.memory_space<hbm>>) target_semaphore(%arg20 : memref<!tpu.dma_semaphore, #tpu.memory_space<semaphore_mem>>)
      %add3A_513 = arith.constant 4 : i32
      %add3A_514 = arith.addi %add3A_327, %add3A_513 : i32
      %sub3A_515 = arith.constant 1 : i32
      %sub3A_516 = arith.subi %add3A_514, %sub3A_515 : i32
      %dma_wait3A_517 = arith.constant 0 : i32
      %dma_wait3A_518 = arith.constant 0 : i32
      %dma_wait3A_519 = tpu.memref_slice %arg4[%add3A, %sub3A_516, %dma_wait3A_517, %dma_wait3A_518] : memref<32x160x40x512xf32, #tpu.memory_space<hbm>> -> memref<1x1x40x512xf32, #tpu.memory_space<hbm>>
      %dma_wait3A_520 = tpu.memref_squeeze %dma_wait3A_519 : memref<1x1x40x512xf32, #tpu.memory_space<hbm>> -> memref<40x512xf32, #tpu.memory_space<hbm>>
      %dma_wait3A_521 = arith.constant 0 : i32
      %dma_wait3A_522 = arith.constant 0 : i32
      %dma_wait3A_523 = tpu.memref_slice %arg4[%add3A, %sub3A_516, %dma_wait3A_521, %dma_wait3A_522] : memref<32x160x40x512xf32, #tpu.memory_space<hbm>> -> memref<1x1x40x512xf32, #tpu.memory_space<hbm>>
      %dma_wait3A_524 = tpu.memref_squeeze %dma_wait3A_523 : memref<1x1x40x512xf32, #tpu.memory_space<hbm>> -> memref<40x512xf32, #tpu.memory_space<hbm>>
      tpu.wait_dma2 semaphore(%arg19 : memref<!tpu.dma_semaphore, #tpu.memory_space<semaphore_mem>>) src(%arg9 : memref<40x512xf32, #tpu.memory_space<vmem>>) dst(%dma_wait3A_524 : memref<40x512xf32, #tpu.memory_space<hbm>>)
      %add3A_525 = arith.constant 4 : i32
      %add3A_526 = arith.addi %add3A_327, %add3A_525 : i32
      %sub3A_527 = arith.constant 1 : i32
      %sub3A_528 = arith.subi %add3A_526, %sub3A_527 : i32
      %add3A_529 = arith.constant 5 : i32
      %add3A_530 = arith.addi %sub3A_528, %add3A_529 : i32
      %dma_start3A_531 = arith.constant 0 : i32
      %dma_start3A_532 = tpu.memref_slice %arg5[%add3A_530, %dma_start3A_531] : memref<160x40xi32, #tpu.memory_space<vmem>> -> memref<1x40xi32, #tpu.memory_space<vmem>>
      %dma_start3A_533 = tpu.memref_squeeze %dma_start3A_532 : memref<1x40xi32, #tpu.memory_space<vmem>> -> memref<40xi32, #tpu.memory_space<vmem>>
      %dma_start3A_534 = arith.constant 0 : i32
      %dma_start3A_535 = arith.constant 0 : i32
      %dma_start3A_536 = tpu.memref_slice %arg2[%dma_start3A_534, %dma_start3A_535] : memref<100000x512xf32, #tpu.memory_space<hbm>> -> memref<100000x512xf32, #tpu.memory_space<hbm>>
      tpu.enqueue_indirect_dma source(%dma_start3A_536 : memref<100000x512xf32, #tpu.memory_space<hbm>>) target(%arg9 : memref<40x512xf32, #tpu.memory_space<vmem>>) offsets(%dma_start3A_533 : memref<40xi32, #tpu.memory_space<vmem>>) semaphore(%arg14 : memref<!tpu.dma_semaphore, #tpu.memory_space<semaphore_mem>>)
    }
    %scan3A_181 = arith.constant 30 : i32
    %dma_wait3A_182 = arith.constant 155 : i32
    %dma_wait3A_183 = arith.constant 0 : i32
    %dma_wait3A_184 = tpu.memref_slice %arg5[%dma_wait3A_182, %dma_wait3A_183] : memref<160x40xi32, #tpu.memory_space<vmem>> -> memref<1x40xi32, #tpu.memory_space<vmem>>
    %dma_wait3A_185 = tpu.memref_squeeze %dma_wait3A_184 : memref<1x40xi32, #tpu.memory_space<vmem>> -> memref<40xi32, #tpu.memory_space<vmem>>
    %dma_wait3A_186 = arith.constant 0 : i32
    %dma_wait3A_187 = arith.constant 0 : i32
    %dma_wait3A_188 = tpu.memref_slice %arg2[%dma_wait3A_186, %dma_wait3A_187] : memref<100000x512xf32, #tpu.memory_space<hbm>> -> memref<100000x512xf32, #tpu.memory_space<hbm>>
    tpu.wait_indirect_dma semaphore(%arg11 : memref<!tpu.dma_semaphore, #tpu.memory_space<semaphore_mem>>) src(%dma_wait3A_188 : memref<100000x512xf32, #tpu.memory_space<hbm>>) dst(%arg6 : memref<40x512xf32, #tpu.memory_space<vmem>>)
    %dma_start3A_189 = arith.constant 155 : i32
    %dma_start3A_190 = arith.constant 0 : i32
    %dma_start3A_191 = arith.constant 0 : i32
    %dma_start3A_192 = tpu.memref_slice %arg4[%add3A, %dma_start3A_189, %dma_start3A_190, %dma_start3A_191] : memref<32x160x40x512xf32, #tpu.memory_space<hbm>> -> memref<1x1x40x512xf32, #tpu.memory_space<hbm>>
    %dma_start3A_193 = tpu.memref_squeeze %dma_start3A_192 : memref<1x1x40x512xf32, #tpu.memory_space<hbm>> -> memref<40x512xf32, #tpu.memory_space<hbm>>
    %dma_start3A_194 = arith.constant 0 : i32
    %dma_start3A_195 = arith.constant 0 : i32
    %dma_start3A_196 = tpu.memref_slice %arg4[%add3A, %dma_start3A_189, %dma_start3A_194, %dma_start3A_195] : memref<32x160x40x512xf32, #tpu.memory_space<hbm>> -> memref<1x1x40x512xf32, #tpu.memory_space<hbm>>
    %dma_start3A_197 = tpu.memref_squeeze %dma_start3A_196 : memref<1x1x40x512xf32, #tpu.memory_space<hbm>> -> memref<40x512xf32, #tpu.memory_space<hbm>>
    tpu.enqueue_dma source(%arg6 : memref<40x512xf32, #tpu.memory_space<vmem>>) target(%dma_start3A_197 : memref<40x512xf32, #tpu.memory_space<hbm>>) target_semaphore(%arg16 : memref<!tpu.dma_semaphore, #tpu.memory_space<semaphore_mem>>)
    %dma_wait3A_198 = arith.constant 154 : i32
    %dma_wait3A_199 = arith.constant 0 : i32
    %dma_wait3A_200 = arith.constant 0 : i32
    %dma_wait3A_201 = tpu.memref_slice %arg4[%add3A, %dma_wait3A_198, %dma_wait3A_199, %dma_wait3A_200] : memref<32x160x40x512xf32, #tpu.memory_space<hbm>> -> memref<1x1x40x512xf32, #tpu.memory_space<hbm>>
    %dma_wait3A_202 = tpu.memref_squeeze %dma_wait3A_201 : memref<1x1x40x512xf32, #tpu.memory_space<hbm>> -> memref<40x512xf32, #tpu.memory_space<hbm>>
    %dma_wait3A_203 = arith.constant 0 : i32
    %dma_wait3A_204 = arith.constant 0 : i32
    %dma_wait3A_205 = tpu.memref_slice %arg4[%add3A, %dma_wait3A_198, %dma_wait3A_203, %dma_wait3A_204] : memref<32x160x40x512xf32, #tpu.memory_space<hbm>> -> memref<1x1x40x512xf32, #tpu.memory_space<hbm>>
    %dma_wait3A_206 = tpu.memref_squeeze %dma_wait3A_205 : memref<1x1x40x512xf32, #tpu.memory_space<hbm>> -> memref<40x512xf32, #tpu.memory_space<hbm>>
    tpu.wait_dma2 semaphore(%arg20 : memref<!tpu.dma_semaphore, #tpu.memory_space<semaphore_mem>>) src(%arg10 : memref<40x512xf32, #tpu.memory_space<vmem>>) dst(%dma_wait3A_206 : memref<40x512xf32, #tpu.memory_space<hbm>>)
    %dma_start3A_207 = arith.constant 159 : i32
    %dma_start3A_208 = arith.constant 0 : i32
    %dma_start3A_209 = tpu.memref_slice %arg5[%dma_start3A_207, %dma_start3A_208] : memref<160x40xi32, #tpu.memory_space<vmem>> -> memref<1x40xi32, #tpu.memory_space<vmem>>
    %dma_start3A_210 = tpu.memref_squeeze %dma_start3A_209 : memref<1x40xi32, #tpu.memory_space<vmem>> -> memref<40xi32, #tpu.memory_space<vmem>>
    %dma_start3A_211 = arith.constant 0 : i32
    %dma_start3A_212 = arith.constant 0 : i32
    %dma_start3A_213 = tpu.memref_slice %arg2[%dma_start3A_211, %dma_start3A_212] : memref<100000x512xf32, #tpu.memory_space<hbm>> -> memref<100000x512xf32, #tpu.memory_space<hbm>>
    tpu.enqueue_indirect_dma source(%dma_start3A_213 : memref<100000x512xf32, #tpu.memory_space<hbm>>) target(%arg10 : memref<40x512xf32, #tpu.memory_space<vmem>>) offsets(%dma_start3A_210 : memref<40xi32, #tpu.memory_space<vmem>>) semaphore(%arg15 : memref<!tpu.dma_semaphore, #tpu.memory_space<semaphore_mem>>)
    %dma_wait3A_214 = arith.constant 156 : i32
    %dma_wait3A_215 = arith.constant 0 : i32
    %dma_wait3A_216 = tpu.memref_slice %arg5[%dma_wait3A_214, %dma_wait3A_215] : memref<160x40xi32, #tpu.memory_space<vmem>> -> memref<1x40xi32, #tpu.memory_space<vmem>>
    %dma_wait3A_217 = tpu.memref_squeeze %dma_wait3A_216 : memref<1x40xi32, #tpu.memory_space<vmem>> -> memref<40xi32, #tpu.memory_space<vmem>>
    %dma_wait3A_218 = arith.constant 0 : i32
    %dma_wait3A_219 = arith.constant 0 : i32
    %dma_wait3A_220 = tpu.memref_slice %arg2[%dma_wait3A_218, %dma_wait3A_219] : memref<100000x512xf32, #tpu.memory_space<hbm>> -> memref<100000x512xf32, #tpu.memory_space<hbm>>
    tpu.wait_indirect_dma semaphore(%arg12 : memref<!tpu.dma_semaphore, #tpu.memory_space<semaphore_mem>>) src(%dma_wait3A_220 : memref<100000x512xf32, #tpu.memory_space<hbm>>) dst(%arg7 : memref<40x512xf32, #tpu.memory_space<vmem>>)
    %dma_start3A_221 = arith.constant 156 : i32
    %dma_start3A_222 = arith.constant 0 : i32
    %dma_start3A_223 = arith.constant 0 : i32
    %dma_start3A_224 = tpu.memref_slice %arg4[%add3A, %dma_start3A_221, %dma_start3A_222, %dma_start3A_223] : memref<32x160x40x512xf32, #tpu.memory_space<hbm>> -> memref<1x1x40x512xf32, #tpu.memory_space<hbm>>
    %dma_start3A_225 = tpu.memref_squeeze %dma_start3A_224 : memref<1x1x40x512xf32, #tpu.memory_space<hbm>> -> memref<40x512xf32, #tpu.memory_space<hbm>>
    %dma_start3A_226 = arith.constant 0 : i32
    %dma_start3A_227 = arith.constant 0 : i32
    %dma_start3A_228 = tpu.memref_slice %arg4[%add3A, %dma_start3A_221, %dma_start3A_226, %dma_start3A_227] : memref<32x160x40x512xf32, #tpu.memory_space<hbm>> -> memref<1x1x40x512xf32, #tpu.memory_space<hbm>>
    %dma_start3A_229 = tpu.memref_squeeze %dma_start3A_228 : memref<1x1x40x512xf32, #tpu.memory_space<hbm>> -> memref<40x512xf32, #tpu.memory_space<hbm>>
    tpu.enqueue_dma source(%arg7 : memref<40x512xf32, #tpu.memory_space<vmem>>) target(%dma_start3A_229 : memref<40x512xf32, #tpu.memory_space<hbm>>) target_semaphore(%arg17 : memref<!tpu.dma_semaphore, #tpu.memory_space<semaphore_mem>>)
    %dma_wait3A_230 = arith.constant 155 : i32
    %dma_wait3A_231 = arith.constant 0 : i32
    %dma_wait3A_232 = arith.constant 0 : i32
    %dma_wait3A_233 = tpu.memref_slice %arg4[%add3A, %dma_wait3A_230, %dma_wait3A_231, %dma_wait3A_232] : memref<32x160x40x512xf32, #tpu.memory_space<hbm>> -> memref<1x1x40x512xf32, #tpu.memory_space<hbm>>
    %dma_wait3A_234 = tpu.memref_squeeze %dma_wait3A_233 : memref<1x1x40x512xf32, #tpu.memory_space<hbm>> -> memref<40x512xf32, #tpu.memory_space<hbm>>
    %dma_wait3A_235 = arith.constant 0 : i32
    %dma_wait3A_236 = arith.constant 0 : i32
    %dma_wait3A_237 = tpu.memref_slice %arg4[%add3A, %dma_wait3A_230, %dma_wait3A_235, %dma_wait3A_236] : memref<32x160x40x512xf32, #tpu.memory_space<hbm>> -> memref<1x1x40x512xf32, #tpu.memory_space<hbm>>
    %dma_wait3A_238 = tpu.memref_squeeze %dma_wait3A_237 : memref<1x1x40x512xf32, #tpu.memory_space<hbm>> -> memref<40x512xf32, #tpu.memory_space<hbm>>
    tpu.wait_dma2 semaphore(%arg16 : memref<!tpu.dma_semaphore, #tpu.memory_space<semaphore_mem>>) src(%arg6 : memref<40x512xf32, #tpu.memory_space<vmem>>) dst(%dma_wait3A_238 : memref<40x512xf32, #tpu.memory_space<hbm>>)
    %dma_wait3A_239 = arith.constant 157 : i32
    %dma_wait3A_240 = arith.constant 0 : i32
    %dma_wait3A_241 = tpu.memref_slice %arg5[%dma_wait3A_239, %dma_wait3A_240] : memref<160x40xi32, #tpu.memory_space<vmem>> -> memref<1x40xi32, #tpu.memory_space<vmem>>
    %dma_wait3A_242 = tpu.memref_squeeze %dma_wait3A_241 : memref<1x40xi32, #tpu.memory_space<vmem>> -> memref<40xi32, #tpu.memory_space<vmem>>
    %dma_wait3A_243 = arith.constant 0 : i32
    %dma_wait3A_244 = arith.constant 0 : i32
    %dma_wait3A_245 = tpu.memref_slice %arg2[%dma_wait3A_243, %dma_wait3A_244] : memref<100000x512xf32, #tpu.memory_space<hbm>> -> memref<100000x512xf32, #tpu.memory_space<hbm>>
    tpu.wait_indirect_dma semaphore(%arg13 : memref<!tpu.dma_semaphore, #tpu.memory_space<semaphore_mem>>) src(%dma_wait3A_245 : memref<100000x512xf32, #tpu.memory_space<hbm>>) dst(%arg8 : memref<40x512xf32, #tpu.memory_space<vmem>>)
    %dma_start3A_246 = arith.constant 157 : i32
    %dma_start3A_247 = arith.constant 0 : i32
    %dma_start3A_248 = arith.constant 0 : i32
    %dma_start3A_249 = tpu.memref_slice %arg4[%add3A, %dma_start3A_246, %dma_start3A_247, %dma_start3A_248] : memref<32x160x40x512xf32, #tpu.memory_space<hbm>> -> memref<1x1x40x512xf32, #tpu.memory_space<hbm>>
    %dma_start3A_250 = tpu.memref_squeeze %dma_start3A_249 : memref<1x1x40x512xf32, #tpu.memory_space<hbm>> -> memref<40x512xf32, #tpu.memory_space<hbm>>
    %dma_start3A_251 = arith.constant 0 : i32
    %dma_start3A_252 = arith.constant 0 : i32
    %dma_start3A_253 = tpu.memref_slice %arg4[%add3A, %dma_start3A_246, %dma_start3A_251, %dma_start3A_252] : memref<32x160x40x512xf32, #tpu.memory_space<hbm>> -> memref<1x1x40x512xf32, #tpu.memory_space<hbm>>
    %dma_start3A_254 = tpu.memref_squeeze %dma_start3A_253 : memref<1x1x40x512xf32, #tpu.memory_space<hbm>> -> memref<40x512xf32, #tpu.memory_space<hbm>>
    tpu.enqueue_dma source(%arg8 : memref<40x512xf32, #tpu.memory_space<vmem>>) target(%dma_start3A_254 : memref<40x512xf32, #tpu.memory_space<hbm>>) target_semaphore(%arg18 : memref<!tpu.dma_semaphore, #tpu.memory_space<semaphore_mem>>)
    %dma_wait3A_255 = arith.constant 156 : i32
    %dma_wait3A_256 = arith.constant 0 : i32
    %dma_wait3A_257 = arith.constant 0 : i32
    %dma_wait3A_258 = tpu.memref_slice %arg4[%add3A, %dma_wait3A_255, %dma_wait3A_256, %dma_wait3A_257] : memref<32x160x40x512xf32, #tpu.memory_space<hbm>> -> memref<1x1x40x512xf32, #tpu.memory_space<hbm>>
    %dma_wait3A_259 = tpu.memref_squeeze %dma_wait3A_258 : memref<1x1x40x512xf32, #tpu.memory_space<hbm>> -> memref<40x512xf32, #tpu.memory_space<hbm>>
    %dma_wait3A_260 = arith.constant 0 : i32
    %dma_wait3A_261 = arith.constant 0 : i32
    %dma_wait3A_262 = tpu.memref_slice %arg4[%add3A, %dma_wait3A_255, %dma_wait3A_260, %dma_wait3A_261] : memref<32x160x40x512xf32, #tpu.memory_space<hbm>> -> memref<1x1x40x512xf32, #tpu.memory_space<hbm>>
    %dma_wait3A_263 = tpu.memref_squeeze %dma_wait3A_262 : memref<1x1x40x512xf32, #tpu.memory_space<hbm>> -> memref<40x512xf32, #tpu.memory_space<hbm>>
    tpu.wait_dma2 semaphore(%arg17 : memref<!tpu.dma_semaphore, #tpu.memory_space<semaphore_mem>>) src(%arg7 : memref<40x512xf32, #tpu.memory_space<vmem>>) dst(%dma_wait3A_263 : memref<40x512xf32, #tpu.memory_space<hbm>>)
    %dma_wait3A_264 = arith.constant 158 : i32
    %dma_wait3A_265 = arith.constant 0 : i32
    %dma_wait3A_266 = tpu.memref_slice %arg5[%dma_wait3A_264, %dma_wait3A_265] : memref<160x40xi32, #tpu.memory_space<vmem>> -> memref<1x40xi32, #tpu.memory_space<vmem>>
    %dma_wait3A_267 = tpu.memref_squeeze %dma_wait3A_266 : memref<1x40xi32, #tpu.memory_space<vmem>> -> memref<40xi32, #tpu.memory_space<vmem>>
    %dma_wait3A_268 = arith.constant 0 : i32
    %dma_wait3A_269 = arith.constant 0 : i32
    %dma_wait3A_270 = tpu.memref_slice %arg2[%dma_wait3A_268, %dma_wait3A_269] : memref<100000x512xf32, #tpu.memory_space<hbm>> -> memref<100000x512xf32, #tpu.memory_space<hbm>>
    tpu.wait_indirect_dma semaphore(%arg14 : memref<!tpu.dma_semaphore, #tpu.memory_space<semaphore_mem>>) src(%dma_wait3A_270 : memref<100000x512xf32, #tpu.memory_space<hbm>>) dst(%arg9 : memref<40x512xf32, #tpu.memory_space<vmem>>)
    %dma_start3A_271 = arith.constant 158 : i32
    %dma_start3A_272 = arith.constant 0 : i32
    %dma_start3A_273 = arith.constant 0 : i32
    %dma_start3A_274 = tpu.memref_slice %arg4[%add3A, %dma_start3A_271, %dma_start3A_272, %dma_start3A_273] : memref<32x160x40x512xf32, #tpu.memory_space<hbm>> -> memref<1x1x40x512xf32, #tpu.memory_space<hbm>>
    %dma_start3A_275 = tpu.memref_squeeze %dma_start3A_274 : memref<1x1x40x512xf32, #tpu.memory_space<hbm>> -> memref<40x512xf32, #tpu.memory_space<hbm>>
    %dma_start3A_276 = arith.constant 0 : i32
    %dma_start3A_277 = arith.constant 0 : i32
    %dma_start3A_278 = tpu.memref_slice %arg4[%add3A, %dma_start3A_271, %dma_start3A_276, %dma_start3A_277] : memref<32x160x40x512xf32, #tpu.memory_space<hbm>> -> memref<1x1x40x512xf32, #tpu.memory_space<hbm>>
    %dma_start3A_279 = tpu.memref_squeeze %dma_start3A_278 : memref<1x1x40x512xf32, #tpu.memory_space<hbm>> -> memref<40x512xf32, #tpu.memory_space<hbm>>
    tpu.enqueue_dma source(%arg9 : memref<40x512xf32, #tpu.memory_space<vmem>>) target(%dma_start3A_279 : memref<40x512xf32, #tpu.memory_space<hbm>>) target_semaphore(%arg19 : memref<!tpu.dma_semaphore, #tpu.memory_space<semaphore_mem>>)
    %dma_wait3A_280 = arith.constant 157 : i32
    %dma_wait3A_281 = arith.constant 0 : i32
    %dma_wait3A_282 = arith.constant 0 : i32
    %dma_wait3A_283 = tpu.memref_slice %arg4[%add3A, %dma_wait3A_280, %dma_wait3A_281, %dma_wait3A_282] : memref<32x160x40x512xf32, #tpu.memory_space<hbm>> -> memref<1x1x40x512xf32, #tpu.memory_space<hbm>>
    %dma_wait3A_284 = tpu.memref_squeeze %dma_wait3A_283 : memref<1x1x40x512xf32, #tpu.memory_space<hbm>> -> memref<40x512xf32, #tpu.memory_space<hbm>>
    %dma_wait3A_285 = arith.constant 0 : i32
    %dma_wait3A_286 = arith.constant 0 : i32
    %dma_wait3A_287 = tpu.memref_slice %arg4[%add3A, %dma_wait3A_280, %dma_wait3A_285, %dma_wait3A_286] : memref<32x160x40x512xf32, #tpu.memory_space<hbm>> -> memref<1x1x40x512xf32, #tpu.memory_space<hbm>>
    %dma_wait3A_288 = tpu.memref_squeeze %dma_wait3A_287 : memref<1x1x40x512xf32, #tpu.memory_space<hbm>> -> memref<40x512xf32, #tpu.memory_space<hbm>>
    tpu.wait_dma2 semaphore(%arg18 : memref<!tpu.dma_semaphore, #tpu.memory_space<semaphore_mem>>) src(%arg8 : memref<40x512xf32, #tpu.memory_space<vmem>>) dst(%dma_wait3A_288 : memref<40x512xf32, #tpu.memory_space<hbm>>)
    %dma_wait3A_289 = arith.constant 159 : i32
    %dma_wait3A_290 = arith.constant 0 : i32
    %dma_wait3A_291 = tpu.memref_slice %arg5[%dma_wait3A_289, %dma_wait3A_290] : memref<160x40xi32, #tpu.memory_space<vmem>> -> memref<1x40xi32, #tpu.memory_space<vmem>>
    %dma_wait3A_292 = tpu.memref_squeeze %dma_wait3A_291 : memref<1x40xi32, #tpu.memory_space<vmem>> -> memref<40xi32, #tpu.memory_space<vmem>>
    %dma_wait3A_293 = arith.constant 0 : i32
    %dma_wait3A_294 = arith.constant 0 : i32
    %dma_wait3A_295 = tpu.memref_slice %arg2[%dma_wait3A_293, %dma_wait3A_294] : memref<100000x512xf32, #tpu.memory_space<hbm>> -> memref<100000x512xf32, #tpu.memory_space<hbm>>
    tpu.wait_indirect_dma semaphore(%arg15 : memref<!tpu.dma_semaphore, #tpu.memory_space<semaphore_mem>>) src(%dma_wait3A_295 : memref<100000x512xf32, #tpu.memory_space<hbm>>) dst(%arg10 : memref<40x512xf32, #tpu.memory_space<vmem>>)
    %dma_start3A_296 = arith.constant 159 : i32
    %dma_start3A_297 = arith.constant 0 : i32
    %dma_start3A_298 = arith.constant 0 : i32
    %dma_start3A_299 = tpu.memref_slice %arg4[%add3A, %dma_start3A_296, %dma_start3A_297, %dma_start3A_298] : memref<32x160x40x512xf32, #tpu.memory_space<hbm>> -> memref<1x1x40x512xf32, #tpu.memory_space<hbm>>
    %dma_start3A_300 = tpu.memref_squeeze %dma_start3A_299 : memref<1x1x40x512xf32, #tpu.memory_space<hbm>> -> memref<40x512xf32, #tpu.memory_space<hbm>>
    %dma_start3A_301 = arith.constant 0 : i32
    %dma_start3A_302 = arith.constant 0 : i32
    %dma_start3A_303 = tpu.memref_slice %arg4[%add3A, %dma_start3A_296, %dma_start3A_301, %dma_start3A_302] : memref<32x160x40x512xf32, #tpu.memory_space<hbm>> -> memref<1x1x40x512xf32, #tpu.memory_space<hbm>>
    %dma_start3A_304 = tpu.memref_squeeze %dma_start3A_303 : memref<1x1x40x512xf32, #tpu.memory_space<hbm>> -> memref<40x512xf32, #tpu.memory_space<hbm>>
    tpu.enqueue_dma source(%arg10 : memref<40x512xf32, #tpu.memory_space<vmem>>) target(%dma_start3A_304 : memref<40x512xf32, #tpu.memory_space<hbm>>) target_semaphore(%arg20 : memref<!tpu.dma_semaphore, #tpu.memory_space<semaphore_mem>>)
    %dma_wait3A_305 = arith.constant 158 : i32
    %dma_wait3A_306 = arith.constant 0 : i32
    %dma_wait3A_307 = arith.constant 0 : i32
    %dma_wait3A_308 = tpu.memref_slice %arg4[%add3A, %dma_wait3A_305, %dma_wait3A_306, %dma_wait3A_307] : memref<32x160x40x512xf32, #tpu.memory_space<hbm>> -> memref<1x1x40x512xf32, #tpu.memory_space<hbm>>
    %dma_wait3A_309 = tpu.memref_squeeze %dma_wait3A_308 : memref<1x1x40x512xf32, #tpu.memory_space<hbm>> -> memref<40x512xf32, #tpu.memory_space<hbm>>
    %dma_wait3A_310 = arith.constant 0 : i32
    %dma_wait3A_311 = arith.constant 0 : i32
    %dma_wait3A_312 = tpu.memref_slice %arg4[%add3A, %dma_wait3A_305, %dma_wait3A_310, %dma_wait3A_311] : memref<32x160x40x512xf32, #tpu.memory_space<hbm>> -> memref<1x1x40x512xf32, #tpu.memory_space<hbm>>
    %dma_wait3A_313 = tpu.memref_squeeze %dma_wait3A_312 : memref<1x1x40x512xf32, #tpu.memory_space<hbm>> -> memref<40x512xf32, #tpu.memory_space<hbm>>
    tpu.wait_dma2 semaphore(%arg19 : memref<!tpu.dma_semaphore, #tpu.memory_space<semaphore_mem>>) src(%arg9 : memref<40x512xf32, #tpu.memory_space<vmem>>) dst(%dma_wait3A_313 : memref<40x512xf32, #tpu.memory_space<hbm>>)
    %dma_wait3A_314 = arith.constant 159 : i32
    %dma_wait3A_315 = arith.constant 0 : i32
    %dma_wait3A_316 = arith.constant 0 : i32
    %dma_wait3A_317 = tpu.memref_slice %arg4[%add3A, %dma_wait3A_314, %dma_wait3A_315, %dma_wait3A_316] : memref<32x160x40x512xf32, #tpu.memory_space<hbm>> -> memref<1x1x40x512xf32, #tpu.memory_space<hbm>>
    %dma_wait3A_318 = tpu.memref_squeeze %dma_wait3A_317 : memref<1x1x40x512xf32, #tpu.memory_space<hbm>> -> memref<40x512xf32, #tpu.memory_space<hbm>>
    %dma_wait3A_319 = arith.constant 0 : i32
    %dma_wait3A_320 = arith.constant 0 : i32
    %dma_wait3A_321 = tpu.memref_slice %arg4[%add3A, %dma_wait3A_314, %dma_wait3A_319, %dma_wait3A_320] : memref<32x160x40x512xf32, #tpu.memory_space<hbm>> -> memref<1x1x40x512xf32, #tpu.memory_space<hbm>>
    %dma_wait3A_322 = tpu.memref_squeeze %dma_wait3A_321 : memref<1x1x40x512xf32, #tpu.memory_space<hbm>> -> memref<40x512xf32, #tpu.memory_space<hbm>>
    tpu.wait_dma2 semaphore(%arg20 : memref<!tpu.dma_semaphore, #tpu.memory_space<semaphore_mem>>) src(%arg10 : memref<40x512xf32, #tpu.memory_space<vmem>>) dst(%dma_wait3A_322 : memref<40x512xf32, #tpu.memory_space<hbm>>)
    return
  }
}

</mosaic_0001>

<sc_bundles>
// kernel: kernel.3.cloned.1.call-start
scs
__scs_entry_jumppad:
0x0: {  	(pc) =	sbr.rel $0x88, $3  }
0x1: {  	(tag) =	ssettag $0x0;
	lr =	simm.s32 $0x1  }
0x2: {  	[smem:$0x3F9F] =	sst lr;
	_ =	strace $0xD0000000  }
0x3: {  	_ = 	snop  }
0x4: {  	_ = 	snop  }
0x5: {  	_ = 	snop  }
0x6: {  	_ = 	snop  }
0x7: {  	_ = 	snop  }
__scs_overlays_trampoline_lowered:
0x8: {  	[smem:$0x3FAE] =	sst s0  }
0x9: {  	[smem:$0x3FAF] =	sst s1  }
0xa: {  	[smem:$0x3FB0] =	sst s2  }
0xb: {  	[smem:$0x3FB1] =	sst s3  }
0xc: {  	[smem:$0x3FB2] =	sst s4  }
0xd: {  	[smem:$0x3FB3] =	sst s5  }
0xe: {  	[smem:$0x3FB4] =	sst s6  }
0xf: {  	[smem:$0x3FB5] =	sst s7  }
0x10: {  	[smem:$0x3FB6] =	sst s8  }
0x11: {  	[smem:$0x3FB7] =	sst s9;
	s0 =	simm.s32 @!p0 $0x0  }
0x12: {  	s1 =	sld [smem:$0x3F9D];
	s0 =	simm.s32 @p0 $0x1  }
0x13: {  	[smem:$0x3FB8] =	sst s0;
	s0 =	simm.s32 @!p1 $0x0  }
0x14: {  	s2 =	sld [smem:$0x3F9C];
	s0 =	simm.s32 @p1 $0x1  }
0x15: {  	[smem:$0x3FB9] =	sst s0;
	s0 =	simm.s32 @!p2 $0x0  }
0x16: {  	s3 =	sld [smem:$0x3FDB];
	s0 =	simm.s32 @p2 $0x1  }
0x17: {  	s4 =	simm.s32 $0x1BF5;
	[smem:$0x3FBB] =	sst s0  }
0x18: {  	s0 =	sld [smem:$0x3F9E];
	_ =	swait.ge [sflag:s4], $0x0  }
0x19: {  	s7 =	sld [smem:$0x3F9F]  }
0x1a: {  	s8 =	sadd.s32 $0xFFFFE003, lr  }
0x1b: {  	s9 =	sadd.s32 $0xFFFFFEF7, lr;
	s5 =	simm.s32 $0xFFFFFFFF;
	p2 =	slt.u32 s8, $0xFFFFF086  }
0x1c: {  	p1 =	slt.u32 s9, $0xF7A;
	s5 =	simm.s32 @!p2 $0x0  }
0x1d: {  	s5 =	simm.s32 @p1 $0x1;
	p0 =	seq.s32 s7, s2  }
0x1e: {  	s7 =	smul.u32 @!p0 $0xF7A, s2;
	p2 =	seq.s32 @!p0 s5, $0x0  }
0x1f: {  	s9 =	smul.u32 $0xF7A, s1;
	s8 =	simm.s32 @!p0 $0x1BF5;
	p2 =	por !p2, p0  }
0x20: {  	[sflag:s8] =	ssyncset.s32 @!p0 $0xFFFFF086;
	s6 =	sadd.s32 @!p0 s3, s7;
	s7 =	simm.s32 @!p0 $0x108  }
0x21: {  	s3 =	sadd.s32 s3, s9;
	s6 =	sadd.s32 @!p0 $0x88, s6;
	s7 =	simm.s32 @p2 $0x1082  }
0x22: {  	[simem:s7], [sflag:s8] =	dma.local @!p0 [hbm:s6], $0xF7A  }
0x23: {  	s9 =	sor.u32 $0xD0000000, s2;
	s6 =	simm.s32 $0x108;
	_ =	swait.ge @!p0 [sflag:s8], $0x0  }
0x24: {  	s3 =	sadd.s32 $0x88, s3;
	s6 =	simm.s32 @!p1 $0x1082;
	[sflag:s4] =	ssyncset.s32 $0xFFFFF086  }
0x25: {  	[simem:s6], [sflag:s4] =	dma.local [hbm:s3], $0xF7A  }
0x26: {  	[smem:$0x3F9F] =	sst s1;
	(tag) =	ssettag s2;
	_ =	strace s9  }
0x27: {  	s1 =	sld [smem:$0x3FAF]  }
0x28: {  	s2 =	sld [smem:$0x3FB0]  }
0x29: {  	s4 =	sld [smem:$0x3FB2]  }
0x2a: {  	p0 =	seq.s32 s5, $0x0;
	s5 =	sld [smem:$0x3FB3]  }
0x2b: {  	s6 =	sld [smem:$0x3FB4]  }
0x2c: {  	s7 =	sld [smem:$0x3FB5]  }
0x2d: {  	s3 =	simm.s32 $0x108;
	s8 =	sld [smem:$0x3FB6]  }
0x2e: {  	s3 =	simm.s32 @!p0 $0x1082;
	s9 =	sld [smem:$0x3FB7]  }
0x2f: {  	lr =	sadd.s32 s0, s3;
	s0 =	sld [smem:$0x3FAE]  }
0x30: {  	s3 =	sld [smem:$0x3FB1]  }
0x31: {  	[smem:$0x3FBA] =	sst s10  }
0x32: {  	s10 =	sld [smem:$0x3FB8];
	_ =	sdelay $0x3  }
0x33: {  	p0 =	seq.s32 s10, $0x1;
	s10 =	sld [smem:$0x3FBA];
	_ =	sdelay $0x3  }
0x34: {  	[smem:$0x3FBA] =	sst s10  }
0x35: {  	s10 =	sld [smem:$0x3FB9];
	_ =	sdelay $0x3  }
0x36: {  	p1 =	seq.s32 s10, $0x1;
	s10 =	sld [smem:$0x3FBA];
	_ =	sdelay $0x3  }
0x37: {  	[smem:$0x3FBA] =	sst s10  }
0x38: {  	s10 =	sld [smem:$0x3FBB]  }
0x39: {  	_ = 	snop;
	(pc) =	sbr.ind lr, $3  }
0x3a: {  	_ = 	snop  }
0x3b: {  	_ = 	snop  }
0x3c: {  	p2 =	seq.s32 s10, $0x1;
	s10 =	sld [smem:$0x3FBA]  }
0x3d: {  	_ =	shalt  }
0x3e: {  	_ =	shalt  }
0x3f: {  	_ =	shalt  }
0x40: {  	_ =	shalt  }
0x41: {  	_ =	shalt  }
0x42: {  	_ =	shalt  }
0x43: {  	_ =	shalt  }
0x44: {  	_ =	shalt  }
0x45: {  	_ =	shalt  }
0x46: {  	_ =	shalt  }
0x47: {  	_ =	shalt  }
0x48: {  	_ =	shalt  }
0x49: {  	_ =	shalt  }
0x4a: {  	_ =	shalt  }
0x4b: {  	_ =	shalt  }
0x4c: {  	_ =	shalt  }
0x4d: {  	_ =	shalt  }
0x4e: {  	_ =	shalt  }
0x4f: {  	_ =	shalt  }
0x50: {  	_ =	shalt  }
0x51: {  	_ =	shalt  }
0x52: {  	_ =	shalt  }
0x53: {  	_ =	shalt  }
0x54: {  	_ =	shalt  }
0x55: {  	_ =	shalt  }
0x56: {  	_ =	shalt  }
0x57: {  	_ =	shalt  }
0x58: {  	_ =	shalt  }
0x59: {  	_ =	shalt  }
0x5a: {  	_ =	shalt  }
0x5b: {  	_ =	shalt  }
0x5c: {  	_ =	shalt  }
0x5d: {  	_ =	shalt  }
0x5e: {  	_ =	shalt  }
0x5f: {  	_ =	shalt  }
0x60: {  	_ =	shalt  }
0x61: {  	_ =	shalt  }
0x62: {  	_ =	shalt  }
0x63: {  	_ =	shalt  }
0x64: {  	_ =	shalt  }
0x65: {  	_ =	shalt  }
0x66: {  	_ =	shalt  }
0x67: {  	_ =	shalt  }
0x68: {  	_ =	shalt  }
0x69: {  	_ =	shalt  }
0x6a: {  	_ =	shalt  }
0x6b: {  	_ =	shalt  }
0x6c: {  	_ =	shalt  }
0x6d: {  	_ =	shalt  }
0x6e: {  	_ =	shalt  }
0x6f: {  	_ =	shalt  }
0x70: {  	_ =	shalt  }
0x71: {  	_ =	shalt  }
0x72: {  	_ =	shalt  }
0x73: {  	_ =	shalt  }
0x74: {  	_ =	shalt  }
0x75: {  	_ =	shalt  }
0x76: {  	_ =	shalt  }
0x77: {  	_ =	shalt  }
0x78: {  	_ =	shalt  }
0x79: {  	_ =	shalt  }
0x7a: {  	_ =	shalt  }
0x7b: {  	_ =	shalt  }
0x7c: {  	_ =	shalt  }
0x7d: {  	_ =	shalt  }
0x7e: {  	_ =	shalt  }
0x7f: {  	_ =	shalt  }
0x80: {  	_ =	shalt  }
0x81: {  	_ =	shalt  }
0x82: {  	_ =	shalt  }
0x83: {  	_ =	shalt  }
0x84: {  	_ =	shalt  }
0x85: {  	_ =	shalt  }
0x86: {  	_ =	shalt  }
0x87: {  	_ =	shalt  }
.Lfunc_end0:
.L_simem_size_0:
called_computation_lowered:
.L_overlay_start_0:
0x88: {  	s2 =	sld [smem:$0x3FD9]  }
0x89: {  	s3 =	sld [smem:$0x3FFE];
	_ =	sdelay $0x1  }
0x8a: {  	s1 =	srdreg.scid  }
0x8b: {  	s0 =	sand.u32 $0x1, s1  }
0x8c: {  	s17 =	sshll.u32 s0, $0xA;
	s2 =	sadd.s32 s3, s2  }
0x8d: {  	s2 =	sadd.s32 s2, s17  }
0x8e: {  	[smem:$0x3FC6] =	sst s2  }
0x8f: {  	_ = 	snop  }
0x90: {  	s2 =	sld [smem:$0x3FC8]  }
0x91: {  	s18 =	sld [smem:$0x3FD0];
	(tm) =	ssettm $0x1  }
0x92: {  	s4 =	sld [smem:$0x3FFB];
	_ =	sdelay $0x3  }
0x93: {  	_ =	strace s4  }
0x94: {  	s4 =	sld [smem:$0x3FFC];
	_ =	sdelay $0x3  }
0x95: {  	_ =	strace s4  }
0x96: {  	s4 =	sld [smem:$0x3FFD];
	_ =	sdelay $0x3  }
0x97: {  	_ =	strace s4  }
0x98: {  	_ =	strace $0x8FFFFFFF  }
0x99: {  	s19 =	sld [smem:$0x3FDB];
	_ =	sdelay $0x1  }
0x9a: {  	s5 =	simm.s32 $_scs_section_size  }
0x9b: {  	s6 =	simm.s32 $_size__tile_overlayer_lowered;
	s7 =	simm.s32 $_tile_overlayer_lowered  }
0x9c: {  	s22 =	simm.s32 $0x1BFF;
	s21 =	sshll.u32 s7, $0x1;
	s4 =	sadd.s32 s5, s19  }
0x9d: {  	s8 =	simm.s32 $0x0;
	s20 =	sshll.u32 s6, $0x1;
	s6 =	sadd.s32 s21, s4  }
0x9e: {  	[timem:s8], [sflag:s22] =	dma.local [hbm:s6], s20  }
0x9f: {  	_ =	swait.ge [sflag:s22], s20  }
0xa0: {  	s5 =	ssub.s32 $0x0, s20;
	[sflag:s22] =	ssyncset.done $0x0  }
0xa1: {  	[sflag:s22] =	ssyncadd.s32 s5;
	_ =	sdelay $0x1  }
0xa2: {  	s23 =	simm.s32 $0x1B8B  }
0xa3: {  	_ =	swait.ge [sflag:s23], $0x1  }
0xa4: {  	[sflag:s23] =	ssyncset.done $0x0  }
0xa5: {  	s25 =	simm.s32 $0x1B8E;
	s24 =	sld [smem:$0x3FFE];
	[sflag:s23] =	ssyncadd.s32 $0xFFFFFFFF  }
0xa6: {  	s26 =	simm.s32 $execute0_lowered;
	[smem:$0x3FD2] =	sst s25  }
0xa7: {  	s6 =	sshll.u32 s26, $0x1;
	_ =	strace $0x80000046;
	[dreg:$0x1] =	wrdreg $0xFFFFFFFF  }
0xa8: {  	s28 =	simm.s32 $_size_execute0_lowered;
	s4 =	sadd.s32 s4, s6;
	[dreg:$0x0] =	wrdreg $0x0  }
0xa9: {  	s6 =	sshll.u32 s28, $0x1;
	[dreg:$0x2] =	wrdreg s4  }
0xaa: {  	[dreg:$0x3] =	wrdreg s6  }
0xab: {  	[dreg:$0x4] =	wrdreg $0xC0  }
0xac: {  	_ =	task [dreg:s8], $0x5FFFF  }
0xad: {  	[dreg:$0x1] =	wrdreg $0xFFFFFFFF  }
0xae: {  	[dreg:$0x0] =	wrdreg $0x60  }
0xaf: {  	[dreg:$0x2] =	wrdreg s2  }
0xb0: {  	[dreg:$0x3] =	wrdreg s24  }
0xb1: {  	[dreg:$0x4] =	wrdreg s18  }
0xb2: {  	[dreg:$0x5] =	wrdreg $0x9  }
0xb3: {  	_ =	task.clear_ibuf [dreg:s8], $0x6FFFF;
	_ =	strace $0x90000046  }
0xb4: {  	s29 =	simm.s32 $0x9;
	_ =	strace $0x80000048  }
0xb5: {  	_ =	swait.ge [sflag:s29], $0x1  }
0xb6: {  	[sflag:s29] =	ssyncadd.s32 $0xFFFFFFFF  }
0xb7: {  	_ =	strace $0x90000048  }
0xb8: {  	_ =	sfence  }
0xb9: {  	s30 =	sld [smem:$0x0];
	_ =	sdelay $0x2  }
0xba: {  	s31 =	sshll.u32 s1, $0xD;
	s1 =	sshrl.u32 s1, $0x2  }
0xbb: {  	s3 =	sand.u32 $0x4000, s31;
	s1 =	sadd.s32 s1, s30  }
0xbc: {  	s0 =	sor.u32 s3, s0;
	s1 =	sshll.u32 s1, $0x11  }
0xbd: {  	s0 =	sor.u32 s1, s0  }
0xbe: {  	s0 =	sadd.s32 $0x8F2B, s0  }
0xbf: {  	[sflag:s0] =	ssyncadd.remote.s32 $0x1  }
0xc0: {  	_ =	sfence.sel $0xFFFF  }
0xc1: {  	[dreg:$0x0] =	wrdreg $0xFFFFFFFF;
	(pc) =	sbr.abs _section_cstart, $3  }
0xc2: {  	[dreg:$0x1] =	wrdreg $0xFFFFFFFF  }
0xc3: {  	_ =	task.clear_ibuf [dreg:s8], $0x2FFFF;
	_ =	strace $0x9FFFFFFF  }
0xc4: {  	(tm) =	ssettm $0x7FFFFFFF  }
0xc5: {  	_ =	shalt  }
tec
execute0_lowered:
.L_overlay_start_1:
0x0: {  	(tag) =	ssettag $0x1  }
0x1: {  	s1 =	rddreg [dreg:$0x0]  }
0x2: {  	s2 =	srdreg.scid;
	s9 =	stileid.u32  }
0x3: {  	s0 =	rddreg [dreg:$0x1];
	s2 =	sand.u32 $0x1, s2;
	s3 =	sshll.u32 s9, $0x1  }
0x4: {  	s4 =	rddreg [dreg:$0x2];
	s5 =	sor.u32 s2, s3  }
0x5: {  	s30 =	simm.s32 $0x5800;
	s29 =	simm.s32 $0xC000;
	s6 =	smul.u32 $0xA00, s5  }
0x6: {  	s3 =	simm.s32 $0x0;
	s7 =	ssub.s32 $0x2, s2;
	s5 =	smul.u32 $0x320000, s5  }
0x7: {  	[smem:$0x7FF] =	sst s3;
	s8 =	sshrl.u32 s7, $0x1;
	s0 =	sadd.s32 s6, s0  }
0x8: {  	s6 =	ssub.s32 s7, s8;
	s8 =	sshrl.u32 s5, $0x3;
	s0 =	sadd.s32 $0x400, s0  }
0x9: {  	_ =	strace $0x80000047;
	s11 =	sadd.s32 s4, s8;
	[dreg:$0x9] =	wrdreg s0  }
0xa: {  	s31 =	simm.s32 $0xD000;
	s6 =	smax.u32 s6, $0x1;
	[dreg:$0xa] =	wrdreg s11  }
0xb: {  	s10 =	smul.u32 $0x640000, s9;
	s13 =	sadd.s32 $0xA00, s11;
	[dreg:$0x14] =	wrdreg s6  }
0xc: {  	s9 =	simm.s32 $0x7800;
	s14 =	sadd.s32 $0x1400, s11;
	[dreg:$0xb] =	wrdreg s13  }
0xd: {  	s12 =	smul.u32 $0x320000, s2;
	s15 =	sadd.s32 $0x1E00, s11;
	[dreg:$0xc] =	wrdreg s14  }
0xe: {  	s5 =	sadd.s32 $0x100, s1;
	s16 =	sadd.s32 $0x2800, s11;
	[dreg:$0xd] =	wrdreg s15  }
0xf: {  	s17 =	sadd.s32 $0x60E00, s11;
	s0 =	sadd.s32 s12, s10;
	[dreg:$0xe] =	wrdreg s16  }
0x10: {  	s18 =	sadd.s32 $0x61800, s11;
	s19 =	sadd.s32 $0x62200, s11;
	[dreg:$0xf] =	wrdreg s17  }
0x11: {  	s21 =	sadd.s32 $0x62C00, s11;
	s8 =	sadd.s32 $0x63600, s11;
	[dreg:$0x10] =	wrdreg s18  }
0x12: {  	s10 =	simm.s32 $0x8000;
	s12 =	simm.s32 $0x8800;
	[dreg:$0x11] =	wrdreg s19  }
0x13: {  	s6 =	simm.s32 $0x2;
	s11 =	simm.s32 $0x0;
	[dreg:$0x12] =	wrdreg s21  }
0x14: {  	s20 =	sadd.s32 $0x2D000, s0;
	s22 =	sor.u32 $0x19000, s0;
	[dreg:$0x13] =	wrdreg s8  }
0x15: {  	s24 =	sor.u32 $0x1E000, s0;
	s26 =	sadd.s32 $0x23000, s0;
	s0 =	sadd.s32 $0x28000, s0  }
0x16: {  	s8 =	simm.s32 $0x7000;
	s13 =	simm.s32 $0x9000;
	s14 =	simm.s32 $0x9800  }
0x17: {  	s15 =	simm.s32 $0xA800;
	s16 =	simm.s32 $0xB000;
	s21 =	simm.s32 $0xB800  }
0x18: {  	s17 =	simm.s32 $0x6;
	s19 =	simm.s32 $0x3;
	s2 =	sshrl.u32 s20, $0x3  }
0x19: {  	s7 =	sshrl.u32 s22, $0x3;
	s25 =	sshrl.u32 s24, $0x3;
	s0 =	sshrl.u32 s0, $0x3  }
0x1a: {  	s20 =	simm.s32 $0x7;
	s22 =	simm.s32 $0x4;
	s24 =	simm.s32 $0x5  }
0x1b: {  	s2 =	sadd.s32 s2, s4;
	s23 =	sadd.s32 s7, s4;
	s7 =	sshrl.u32 s26, $0x3  }
0x1c: {  	s0 =	sadd.s32 s0, s4;
	s26 =	simm.s32 $0xA;
	[dreg:$0x4] =	wrdreg s2  }
0x1d: {  	[dreg:$0x5] =	wrdreg s23;
	s2 =	sadd.s32 s25, s4;
	s28 =	sadd.s32 s7, s4  }
0x1e: {  	v2 =	vlaneseq.u32;
	[dreg:$0x8] =	wrdreg s0;
	s7 =	simm.s32 $0x6800;
	s4 =	simm.s32 $0xC800  }
0x1f: {  	vm0 =	vmmov $0xffff;
	v1 =	vshrl.u32 v2, $0x3;
	s0 =	simm.s32 $0x1;
	s23 =	simm.s32 $0x8;
	[dreg:$0x6] =	wrdreg s2  }
0x20: {  	v0 =	vand.u32 $0x7, v2;
	v2 =	vor.u32 $0x8, v2;
	v1 =	vmul.u32 $0x8, v1;
	s25 =	simm.s32 $0x9;
	[dreg:$0x7] =	wrdreg s28;
	s2 =	simm.s32 $0x6000  }
.LBB2_1:
0x21: {  	s28 =	rddreg [dreg:$0x9]  }
0x22: {  	[tilespmem:s3], [sflag:$0xB] =	stream.linear.gather [hbm4b:s28+s3], $0x5000, $0x38;
	[tilespmem:$0x1E000] =	vst v63  }
0x23: {  	[dreg:$0x15] =	wrdreg s11;
	s28 =	simm.s32 $0xB  }
0x24: {  	_ =	swait.ge [sflag:s28], $0x5000  }
0x25: {  	[sflag:s28] =	ssyncset.done $0x0  }
0x26: {  	[sflag:s28] =	ssyncadd.s32 $0xFFFFB000  }
0x27: {  	v3 =	vld [tilespmem:$0x0];
	_ =	sdelay $0x4  }
0x28: {  	v4 =	vshll.u32 v3, $0x2  }
0x29: {  	v3 =	vand.u32 $0x7, v3;
	v4 =	vand.u32 $0xFFFFFFE0, v4  }
0x2a: {  	v3 =	vor.u32 v3, v4  }
0x2b: {  	v4 =	vperm.xlane v3, v0;
	_ =	sdelay $0x1  }
0x2c: {  	v4 =	vadd.s32 v1, v4;
	_ =	sdelay $0x1  }
0x2d: {  	v3 =	vperm.xlane v3, v2;
	_ =	sdelay $0x1  }
0x2e: {  	s18 =	simm.s32 $0x5000;
	v3 =	vadd.s32 v1, v3  }
0x2f: {  	[tilespmem:s18], [sflag:$0x1] =	stream.indirect_vreg.gather [hbm4b:s1+s3], $0x80, v4, vm0, $0xb8;
	[tilespmem:$0x1E000] =	vst v63  }
0x30: {  	_ = 	snop  }
0x31: {  	[tilespmem:s30], [sflag:$0x1] =	stream.indirect_vreg.gather [hbm4b:s5+s3], $0x80, v4, vm0, $0xb8;
	[tilespmem:$0x1E000] =	vst v63  }
0x32: {  	_ = 	snop  }
0x33: {  	[tilespmem:s2], [sflag:$0x1] =	stream.indirect_vreg.gather [hbm4b:s1+s3], $0x80, v3, vm0, $0xb8;
	[tilespmem:$0x1E000] =	vst v63  }
0x34: {  	_ = 	snop  }
0x35: {  	[tilespmem:s7], [sflag:$0x1] =	stream.indirect_vreg.gather [hbm4b:s5+s3], $0x80, v3, vm0, $0xb8;
	[tilespmem:$0x1E000] =	vst v63  }
0x36: {  	v3 =	vld [tilespmem:$0x10];
	_ =	sdelay $0x4  }
0x37: {  	v38 =	vshll.u32 v3, $0x2  }
0x38: {  	v3 =	vand.u32 $0x7, v3;
	v4 =	vand.u32 $0xFFFFFFE0, v38  }
0x39: {  	v3 =	vor.u32 v3, v4  }
0x3a: {  	v4 =	vperm.xlane v3, v0;
	_ =	sdelay $0x1  }
0x3b: {  	v4 =	vadd.s32 v1, v4;
	_ =	sdelay $0x1  }
0x3c: {  	v3 =	vperm.xlane v3, v2;
	_ =	sdelay $0x1  }
0x3d: {  	v3 =	vadd.s32 v1, v3  }
0x3e: {  	[tilespmem:s8], [sflag:$0x1] =	stream.indirect_vreg.gather [hbm4b:s1+s3], $0x80, v4, vm0, $0xb8;
	[tilespmem:$0x1E000] =	vst v63  }
0x3f: {  	_ = 	snop  }
0x40: {  	[tilespmem:s9], [sflag:$0x1] =	stream.indirect_vreg.gather [hbm4b:s5+s3], $0x80, v4, vm0, $0xb8;
	[tilespmem:$0x1E000] =	vst v63  }
0x41: {  	_ = 	snop  }
0x42: {  	[tilespmem:s10], [sflag:$0x1] =	stream.indirect_vreg.gather [hbm4b:s1+s3], $0x80, v3, vm0, $0xb8;
	[tilespmem:$0x1E000] =	vst v63  }
0x43: {  	_ = 	snop  }
0x44: {  	[tilespmem:s12], [sflag:$0x1] =	stream.indirect_vreg.gather [hbm4b:s5+s3], $0x80, v3, vm0, $0xb8;
	[tilespmem:$0x1E000] =	vst v63  }
0x45: {  	v3 =	vld.msk [tilespmem:$0x20], $0xff;
	_ =	sdelay $0x4  }
0x46: {  	v39 =	vshll.u32 v3, $0x2  }
0x47: {  	v3 =	vand.u32 $0x7, v3;
	v4 =	vand.u32 $0xFFFFFFE0, v39  }
0x48: {  	v3 =	vor.u32 v3, v4  }
0x49: {  	v3 =	vperm.xlane v3, v0;
	_ =	sdelay $0x1  }
0x4a: {  	v3 =	vadd.s32 v1, v3;
	_ =	sdelay $0x4  }
0x4b: {  	[tilespmem:s13], [sflag:$0x1] =	stream.indirect_vreg.gather [hbm4b:s1+s3], $0x80, v3, vm0, $0xb8;
	[tilespmem:$0x1E000] =	vst v63  }
0x4c: {  	_ = 	snop  }
0x4d: {  	[tilespmem:s14], [sflag:$0x1] =	stream.indirect_vreg.gather [hbm4b:s5+s3], $0x80, v3, vm0, $0xb8;
	[tilespmem:$0x1E000] =	vst v63  }
0x4e: {  	v3 =	vld [tilespmem:$0x80];
	_ =	sdelay $0x4  }
0x4f: {  	v40 =	vshll.u32 v3, $0x2  }
0x50: {  	v3 =	vand.u32 $0x7, v3;
	v4 =	vand.u32 $0xFFFFFFE0, v40  }
0x51: {  	v3 =	vor.u32 v3, v4  }
0x52: {  	v4 =	vperm.xlane v3, v0;
	_ =	sdelay $0x1  }
0x53: {  	v4 =	vadd.s32 v1, v4;
	_ =	sdelay $0x1  }
0x54: {  	v3 =	vperm.xlane v3, v2;
	_ =	sdelay $0x1  }
0x55: {  	s11 =	simm.s32 $0xA000;
	v3 =	vadd.s32 v1, v3  }
0x56: {  	[tilespmem:s11], [sflag:$0x2] =	stream.indirect_vreg.gather [hbm4b:s1+s3], $0x80, v4, vm0, $0xb8;
	[tilespmem:$0x1E000] =	vst v63  }
0x57: {  	_ = 	snop  }
0x58: {  	[tilespmem:s15], [sflag:$0x2] =	stream.indirect_vreg.gather [hbm4b:s5+s3], $0x80, v4, vm0, $0xb8;
	[tilespmem:$0x1E000] =	vst v63  }
0x59: {  	_ = 	snop  }
0x5a: {  	[tilespmem:s16], [sflag:$0x2] =	stream.indirect_vreg.gather [hbm4b:s1+s3], $0x80, v3, vm0, $0xb8;
	[tilespmem:$0x1E000] =	vst v63  }
0x5b: {  	_ = 	snop  }
0x5c: {  	[tilespmem:s21], [sflag:$0x2] =	stream.indirect_vreg.gather [hbm4b:s5+s3], $0x80, v3, vm0, $0xb8;
	[tilespmem:$0x1E000] =	vst v63  }
0x5d: {  	v3 =	vld [tilespmem:$0x90];
	_ =	sdelay $0x4  }
0x5e: {  	v41 =	vshll.u32 v3, $0x2  }
0x5f: {  	v3 =	vand.u32 $0x7, v3;
	v4 =	vand.u32 $0xFFFFFFE0, v41  }
0x60: {  	v3 =	vor.u32 v3, v4  }
0x61: {  	v4 =	vperm.xlane v3, v0;
	_ =	sdelay $0x1  }
0x62: {  	v4 =	vadd.s32 v1, v4;
	_ =	sdelay $0x1  }
0x63: {  	v3 =	vperm.xlane v3, v2;
	_ =	sdelay $0x1  }
0x64: {  	v3 =	vadd.s32 v1, v3  }
0x65: {  	[tilespmem:s29], [sflag:$0x2] =	stream.indirect_vreg.gather [hbm4b:s1+s3], $0x80, v4, vm0, $0xb8;
	[tilespmem:$0x1E000] =	vst v63  }
0x66: {  	_ = 	snop  }
0x67: {  	[tilespmem:s4], [sflag:$0x2] =	stream.indirect_vreg.gather [hbm4b:s5+s3], $0x80, v4, vm0, $0xb8;
	[tilespmem:$0x1E000] =	vst v63  }
0x68: {  	_ = 	snop  }
0x69: {  	[tilespmem:s31], [sflag:$0x2] =	stream.indirect_vreg.gather [hbm4b:s1+s3], $0x80, v3, vm0, $0xb8;
	[tilespmem:$0x1E000] =	vst v63  }
0x6a: {  	s28 =	simm.s32 $0xD800  }
0x6b: {  	[tilespmem:s28], [sflag:$0x2] =	stream.indirect_vreg.gather [hbm4b:s5+s3], $0x80, v3, vm0, $0xb8;
	[tilespmem:$0x1E000] =	vst v63  }
0x6c: {  	v3 =	vld.msk [tilespmem:$0xA0], $0xff;
	_ =	sdelay $0x4  }
0x6d: {  	v42 =	vshll.u32 v3, $0x2  }
0x6e: {  	v3 =	vand.u32 $0x7, v3;
	v4 =	vand.u32 $0xFFFFFFE0, v42  }
0x6f: {  	v3 =	vor.u32 v3, v4  }
0x70: {  	v3 =	vperm.xlane v3, v0;
	_ =	sdelay $0x1  }
0x71: {  	v3 =	vadd.s32 v1, v3;
	_ =	sdelay $0x3  }
0x72: {  	s28 =	simm.s32 $0xE000  }
0x73: {  	[tilespmem:s28], [sflag:$0x2] =	stream.indirect_vreg.gather [hbm4b:s1+s3], $0x80, v3, vm0, $0xb8;
	[tilespmem:$0x1E000] =	vst v63  }
0x74: {  	s28 =	simm.s32 $0xE800  }
0x75: {  	[tilespmem:s28], [sflag:$0x2] =	stream.indirect_vreg.gather [hbm4b:s5+s3], $0x80, v3, vm0, $0xb8;
	[tilespmem:$0x1E000] =	vst v63  }
0x76: {  	v3 =	vld [tilespmem:$0x100];
	_ =	sdelay $0x4  }
0x77: {  	v43 =	vshll.u32 v3, $0x2  }
0x78: {  	v3 =	vand.u32 $0x7, v3;
	v4 =	vand.u32 $0xFFFFFFE0, v43  }
0x79: {  	v3 =	vor.u32 v3, v4  }
0x7a: {  	v4 =	vperm.xlane v3, v0;
	_ =	sdelay $0x1  }
0x7b: {  	v4 =	vadd.s32 v1, v4;
	_ =	sdelay $0x1  }
0x7c: {  	v3 =	vperm.xlane v3, v2;
	_ =	sdelay $0x1  }
0x7d: {  	s28 =	simm.s32 $0xF000;
	v3 =	vadd.s32 v1, v3  }
0x7e: {  	[tilespmem:s28], [sflag:$0x3] =	stream.indirect_vreg.gather [hbm4b:s1+s3], $0x80, v4, vm0, $0xb8;
	[tilespmem:$0x1E000] =	vst v63  }
0x7f: {  	s28 =	simm.s32 $0xF800  }
0x80: {  	[tilespmem:s28], [sflag:$0x3] =	stream.indirect_vreg.gather [hbm4b:s5+s3], $0x80, v4, vm0, $0xb8;
	[tilespmem:$0x1E000] =	vst v63  }
0x81: {  	s28 =	simm.s32 $0x10000  }
0x82: {  	[tilespmem:s28], [sflag:$0x3] =	stream.indirect_vreg.gather [hbm4b:s1+s3], $0x80, v3, vm0, $0xb8;
	[tilespmem:$0x1E000] =	vst v63  }
0x83: {  	s28 =	simm.s32 $0x10800  }
0x84: {  	[tilespmem:s28], [sflag:$0x3] =	stream.indirect_vreg.gather [hbm4b:s5+s3], $0x80, v3, vm0, $0xb8;
	[tilespmem:$0x1E000] =	vst v63  }
0x85: {  	v3 =	vld [tilespmem:$0x110];
	_ =	sdelay $0x4  }
0x86: {  	v44 =	vshll.u32 v3, $0x2  }
0x87: {  	v3 =	vand.u32 $0x7, v3;
	v4 =	vand.u32 $0xFFFFFFE0, v44  }
0x88: {  	v3 =	vor.u32 v3, v4  }
0x89: {  	v4 =	vperm.xlane v3, v0;
	_ =	sdelay $0x1  }
0x8a: {  	v4 =	vadd.s32 v1, v4;
	_ =	sdelay $0x1  }
0x8b: {  	v3 =	vperm.xlane v3, v2;
	_ =	sdelay $0x1  }
0x8c: {  	s28 =	simm.s32 $0x11000;
	v3 =	vadd.s32 v1, v3  }
0x8d: {  	[tilespmem:s28], [sflag:$0x3] =	stream.indirect_vreg.gather [hbm4b:s1+s3], $0x80, v4, vm0, $0xb8;
	[tilespmem:$0x1E000] =	vst v63  }
0x8e: {  	s28 =	simm.s32 $0x11800  }
0x8f: {  	[tilespmem:s28], [sflag:$0x3] =	stream.indirect_vreg.gather [hbm4b:s5+s3], $0x80, v4, vm0, $0xb8;
	[tilespmem:$0x1E000] =	vst v63  }
0x90: {  	s28 =	simm.s32 $0x12000  }
0x91: {  	[tilespmem:s28], [sflag:$0x3] =	stream.indirect_vreg.gather [hbm4b:s1+s3], $0x80, v3, vm0, $0xb8;
	[tilespmem:$0x1E000] =	vst v63  }
0x92: {  	s28 =	simm.s32 $0x12800  }
0x93: {  	[tilespmem:s28], [sflag:$0x3] =	stream.indirect_vreg.gather [hbm4b:s5+s3], $0x80, v3, vm0, $0xb8;
	[tilespmem:$0x1E000] =	vst v63  }
0x94: {  	v3 =	vld.msk [tilespmem:$0x120], $0xff;
	_ =	sdelay $0x4  }
0x95: {  	v45 =	vshll.u32 v3, $0x2  }
0x96: {  	v3 =	vand.u32 $0x7, v3;
	v4 =	vand.u32 $0xFFFFFFE0, v45  }
0x97: {  	v3 =	vor.u32 v3, v4  }
0x98: {  	v3 =	vperm.xlane v3, v0;
	_ =	sdelay $0x1  }
0x99: {  	v3 =	vadd.s32 v1, v3;
	_ =	sdelay $0x3  }
0x9a: {  	s28 =	simm.s32 $0x13000  }
0x9b: {  	[tilespmem:s28], [sflag:$0x3] =	stream.indirect_vreg.gather [hbm4b:s1+s3], $0x80, v3, vm0, $0xb8;
	[tilespmem:$0x1E000] =	vst v63  }
0x9c: {  	s28 =	simm.s32 $0x13800  }
0x9d: {  	[tilespmem:s28], [sflag:$0x3] =	stream.indirect_vreg.gather [hbm4b:s5+s3], $0x80, v3, vm0, $0xb8;
	[tilespmem:$0x1E000] =	vst v63  }
0x9e: {  	v3 =	vld [tilespmem:$0x180];
	_ =	sdelay $0x4  }
0x9f: {  	v46 =	vshll.u32 v3, $0x2  }
0xa0: {  	v3 =	vand.u32 $0x7, v3;
	v4 =	vand.u32 $0xFFFFFFE0, v46  }
0xa1: {  	v3 =	vor.u32 v3, v4  }
0xa2: {  	v4 =	vperm.xlane v3, v0;
	_ =	sdelay $0x1  }
0xa3: {  	v4 =	vadd.s32 v1, v4;
	_ =	sdelay $0x1  }
0xa4: {  	v3 =	vperm.xlane v3, v2;
	_ =	sdelay $0x1  }
0xa5: {  	s28 =	simm.s32 $0x14000;
	v3 =	vadd.s32 v1, v3  }
0xa6: {  	[tilespmem:s28], [sflag:$0x4] =	stream.indirect_vreg.gather [hbm4b:s1+s3], $0x80, v4, vm0, $0xb8;
	[tilespmem:$0x1E000] =	vst v63  }
0xa7: {  	s28 =	simm.s32 $0x14800  }
0xa8: {  	[tilespmem:s28], [sflag:$0x4] =	stream.indirect_vreg.gather [hbm4b:s5+s3], $0x80, v4, vm0, $0xb8;
	[tilespmem:$0x1E000] =	vst v63  }
0xa9: {  	s28 =	simm.s32 $0x15000  }
0xaa: {  	[tilespmem:s28], [sflag:$0x4] =	stream.indirect_vreg.gather [hbm4b:s1+s3], $0x80, v3, vm0, $0xb8;
	[tilespmem:$0x1E000] =	vst v63  }
0xab: {  	s28 =	simm.s32 $0x15800  }
0xac: {  	[tilespmem:s28], [sflag:$0x4] =	stream.indirect_vreg.gather [hbm4b:s5+s3], $0x80, v3, vm0, $0xb8;
	[tilespmem:$0x1E000] =	vst v63  }
0xad: {  	v3 =	vld [tilespmem:$0x190];
	_ =	sdelay $0x4  }
0xae: {  	v47 =	vshll.u32 v3, $0x2  }
0xaf: {  	v3 =	vand.u32 $0x7, v3;
	v4 =	vand.u32 $0xFFFFFFE0, v47  }
0xb0: {  	v3 =	vor.u32 v3, v4  }
0xb1: {  	v4 =	vperm.xlane v3, v0;
	_ =	sdelay $0x1  }
0xb2: {  	v4 =	vadd.s32 v1, v4;
	_ =	sdelay $0x1  }
0xb3: {  	v3 =	vperm.xlane v3, v2;
	_ =	sdelay $0x1  }
0xb4: {  	s28 =	simm.s32 $0x16000;
	v3 =	vadd.s32 v1, v3  }
0xb5: {  	[tilespmem:s28], [sflag:$0x4] =	stream.indirect_vreg.gather [hbm4b:s1+s3], $0x80, v4, vm0, $0xb8;
	[tilespmem:$0x1E000] =	vst v63  }
0xb6: {  	s28 =	simm.s32 $0x16800  }
0xb7: {  	[tilespmem:s28], [sflag:$0x4] =	stream.indirect_vreg.gather [hbm4b:s5+s3], $0x80, v4, vm0, $0xb8;
	[tilespmem:$0x1E000] =	vst v63  }
0xb8: {  	s28 =	simm.s32 $0x17000  }
0xb9: {  	[tilespmem:s28], [sflag:$0x4] =	stream.indirect_vreg.gather [hbm4b:s1+s3], $0x80, v3, vm0, $0xb8;
	[tilespmem:$0x1E000] =	vst v63  }
0xba: {  	s28 =	simm.s32 $0x17800  }
0xbb: {  	[tilespmem:s28], [sflag:$0x4] =	stream.indirect_vreg.gather [hbm4b:s5+s3], $0x80, v3, vm0, $0xb8;
	[tilespmem:$0x1E000] =	vst v63  }
0xbc: {  	v3 =	vld.msk [tilespmem:$0x1A0], $0xff;
	_ =	sdelay $0x4  }
0xbd: {  	v48 =	vshll.u32 v3, $0x2  }
0xbe: {  	v3 =	vand.u32 $0x7, v3;
	v4 =	vand.u32 $0xFFFFFFE0, v48  }
0xbf: {  	v3 =	vor.u32 v3, v4  }
0xc0: {  	v3 =	vperm.xlane v3, v0;
	_ =	sdelay $0x1  }
0xc1: {  	v3 =	vadd.s32 v1, v3;
	_ =	sdelay $0x3  }
0xc2: {  	s28 =	simm.s32 $0x18000  }
0xc3: {  	[tilespmem:s28], [sflag:$0x4] =	stream.indirect_vreg.gather [hbm4b:s1+s3], $0x80, v3, vm0, $0xb8;
	[tilespmem:$0x1E000] =	vst v63  }
0xc4: {  	s28 =	simm.s32 $0x18800  }
0xc5: {  	[tilespmem:s28], [sflag:$0x4] =	stream.indirect_vreg.gather [hbm4b:s5+s3], $0x80, v3, vm0, $0xb8;
	[tilespmem:$0x1E000] =	vst v63  }
0xc6: {  	_ =	swait.ge [sflag:s0], $0x5000  }
0xc7: {  	[sflag:s0] =	ssyncset.done $0x0  }
0xc8: {  	s28 =	rddreg [dreg:$0xa];
	[sflag:s0] =	ssyncadd.s32 $0xFFFFB000  }
0xc9: {  	[hbm4b:s28+s3] =	stream.linear.scatter [tilespmem:s18], [sflag:$0x6], $0x5000, $0x38;
	[tilespmem:$0x1E000] =	vst v63  }
0xca: {  	v3 =	vld [tilespmem:$0x200];
	_ =	sdelay $0x4  }
0xcb: {  	v49 =	vshll.u32 v3, $0x2  }
0xcc: {  	v3 =	vand.u32 $0x7, v3;
	v4 =	vand.u32 $0xFFFFFFE0, v49  }
0xcd: {  	v3 =	vor.u32 v3, v4  }
0xce: {  	v4 =	vperm.xlane v3, v0;
	_ =	sdelay $0x1  }
0xcf: {  	v4 =	vadd.s32 v1, v4;
	_ =	sdelay $0x1  }
0xd0: {  	v3 =	vperm.xlane v3, v2;
	_ =	sdelay $0x1  }
0xd1: {  	s28 =	simm.s32 $0x19000;
	v3 =	vadd.s32 v1, v3  }
0xd2: {  	[tilespmem:s28], [sflag:$0x5] =	stream.indirect_vreg.gather [hbm4b:s1+s3], $0x80, v4, vm0, $0xb8;
	[tilespmem:$0x1E000] =	vst v63  }
0xd3: {  	s28 =	simm.s32 $0x19800  }
0xd4: {  	[tilespmem:s28], [sflag:$0x5] =	stream.indirect_vreg.gather [hbm4b:s5+s3], $0x80, v4, vm0, $0xb8;
	[tilespmem:$0x1E000] =	vst v63  }
0xd5: {  	s28 =	simm.s32 $0x1A000  }
0xd6: {  	[tilespmem:s28], [sflag:$0x5] =	stream.indirect_vreg.gather [hbm4b:s1+s3], $0x80, v3, vm0, $0xb8;
	[tilespmem:$0x1E000] =	vst v63  }
0xd7: {  	s28 =	simm.s32 $0x1A800  }
0xd8: {  	[tilespmem:s28], [sflag:$0x5] =	stream.indirect_vreg.gather [hbm4b:s5+s3], $0x80, v3, vm0, $0xb8;
	[tilespmem:$0x1E000] =	vst v63  }
0xd9: {  	v3 =	vld [tilespmem:$0x210];
	_ =	sdelay $0x4  }
0xda: {  	v50 =	vshll.u32 v3, $0x2  }
0xdb: {  	v3 =	vand.u32 $0x7, v3;
	v4 =	vand.u32 $0xFFFFFFE0, v50  }
0xdc: {  	v3 =	vor.u32 v3, v4  }
0xdd: {  	v4 =	vperm.xlane v3, v0;
	_ =	sdelay $0x1  }
0xde: {  	v4 =	vadd.s32 v1, v4;
	_ =	sdelay $0x1  }
0xdf: {  	v3 =	vperm.xlane v3, v2;
	_ =	sdelay $0x1  }
0xe0: {  	s28 =	simm.s32 $0x1B000;
	v3 =	vadd.s32 v1, v3  }
0xe1: {  	[tilespmem:s28], [sflag:$0x5] =	stream.indirect_vreg.gather [hbm4b:s1+s3], $0x80, v4, vm0, $0xb8;
	[tilespmem:$0x1E000] =	vst v63  }
0xe2: {  	s28 =	simm.s32 $0x1B800  }
0xe3: {  	[tilespmem:s28], [sflag:$0x5] =	stream.indirect_vreg.gather [hbm4b:s5+s3], $0x80, v4, vm0, $0xb8;
	[tilespmem:$0x1E000] =	vst v63  }
0xe4: {  	s28 =	simm.s32 $0x1C000  }
0xe5: {  	[tilespmem:s28], [sflag:$0x5] =	stream.indirect_vreg.gather [hbm4b:s1+s3], $0x80, v3, vm0, $0xb8;
	[tilespmem:$0x1E000] =	vst v63  }
0xe6: {  	s28 =	simm.s32 $0x1C800  }
0xe7: {  	[tilespmem:s28], [sflag:$0x5] =	stream.indirect_vreg.gather [hbm4b:s5+s3], $0x80, v3, vm0, $0xb8;
	[tilespmem:$0x1E000] =	vst v63  }
0xe8: {  	v3 =	vld.msk [tilespmem:$0x220], $0xff;
	_ =	sdelay $0x4  }
0xe9: {  	v51 =	vshll.u32 v3, $0x2  }
0xea: {  	v3 =	vand.u32 $0x7, v3;
	v4 =	vand.u32 $0xFFFFFFE0, v51  }
0xeb: {  	v3 =	vor.u32 v3, v4  }
0xec: {  	v3 =	vperm.xlane v3, v0;
	_ =	sdelay $0x1  }
0xed: {  	v3 =	vadd.s32 v1, v3;
	_ =	sdelay $0x3  }
0xee: {  	s28 =	simm.s32 $0x1D000  }
0xef: {  	[tilespmem:s28], [sflag:$0x5] =	stream.indirect_vreg.gather [hbm4b:s1+s3], $0x80, v3, vm0, $0xb8;
	[tilespmem:$0x1E000] =	vst v63  }
0xf0: {  	s28 =	simm.s32 $0x1D800  }
0xf1: {  	[tilespmem:s28], [sflag:$0x5] =	stream.indirect_vreg.gather [hbm4b:s5+s3], $0x80, v3, vm0, $0xb8;
	[tilespmem:$0x1E000] =	vst v63  }
0xf2: {  	_ =	swait.ge [sflag:s6], $0x5000  }
0xf3: {  	[sflag:s6] =	ssyncset.done $0x0  }
0xf4: {  	s28 =	rddreg [dreg:$0xb];
	[sflag:s6] =	ssyncadd.s32 $0xFFFFB000  }
0xf5: {  	[hbm4b:s28+s3] =	stream.linear.scatter [tilespmem:s11], [sflag:$0x7], $0x5000, $0x38;
	[tilespmem:$0x1E000] =	vst v63  }
0xf6: {  	_ =	swait.ge [sflag:s17], $0x5000  }
0xf7: {  	[sflag:s17] =	ssyncset.done $0x0  }
0xf8: {  	[sflag:s17] =	ssyncadd.s32 $0xFFFFB000  }
0xf9: {  	v3 =	vld [tilespmem:$0x280];
	_ =	sdelay $0x4  }
0xfa: {  	v52 =	vshll.u32 v3, $0x2  }
0xfb: {  	v3 =	vand.u32 $0x7, v3;
	v4 =	vand.u32 $0xFFFFFFE0, v52  }
0xfc: {  	v3 =	vor.u32 v3, v4  }
0xfd: {  	v4 =	vperm.xlane v3, v0;
	_ =	sdelay $0x1  }
0xfe: {  	v4 =	vadd.s32 v1, v4;
	_ =	sdelay $0x1  }
0xff: {  	v3 =	vperm.xlane v3, v2;
	_ =	sdelay $0x1  }
0x100: {  	v3 =	vadd.s32 v1, v3  }
0x101: {  	[tilespmem:s18], [sflag:$0x1] =	stream.indirect_vreg.gather [hbm4b:s1+s3], $0x80, v4, vm0, $0xb8;
	[tilespmem:$0x1E000] =	vst v63  }
0x102: {  	_ = 	snop  }
0x103: {  	[tilespmem:s30], [sflag:$0x1] =	stream.indirect_vreg.gather [hbm4b:s5+s3], $0x80, v4, vm0, $0xb8;
	[tilespmem:$0x1E000] =	vst v63  }
0x104: {  	_ = 	snop  }
0x105: {  	[tilespmem:s2], [sflag:$0x1] =	stream.indirect_vreg.gather [hbm4b:s1+s3], $0x80, v3, vm0, $0xb8;
	[tilespmem:$0x1E000] =	vst v63  }
0x106: {  	_ = 	snop  }
0x107: {  	[tilespmem:s7], [sflag:$0x1] =	stream.indirect_vreg.gather [hbm4b:s5+s3], $0x80, v3, vm0, $0xb8;
	[tilespmem:$0x1E000] =	vst v63  }
0x108: {  	v3 =	vld [tilespmem:$0x290];
	_ =	sdelay $0x4  }
0x109: {  	v53 =	vshll.u32 v3, $0x2  }
0x10a: {  	v3 =	vand.u32 $0x7, v3;
	v4 =	vand.u32 $0xFFFFFFE0, v53  }
0x10b: {  	v3 =	vor.u32 v3, v4  }
0x10c: {  	v4 =	vperm.xlane v3, v0;
	_ =	sdelay $0x1  }
0x10d: {  	v4 =	vadd.s32 v1, v4;
	_ =	sdelay $0x1  }
0x10e: {  	v3 =	vperm.xlane v3, v2;
	_ =	sdelay $0x1  }
0x10f: {  	v3 =	vadd.s32 v1, v3  }
0x110: {  	[tilespmem:s8], [sflag:$0x1] =	stream.indirect_vreg.gather [hbm4b:s1+s3], $0x80, v4, vm0, $0xb8;
	[tilespmem:$0x1E000] =	vst v63  }
0x111: {  	_ = 	snop  }
0x112: {  	[tilespmem:s9], [sflag:$0x1] =	stream.indirect_vreg.gather [hbm4b:s5+s3], $0x80, v4, vm0, $0xb8;
	[tilespmem:$0x1E000] =	vst v63  }
0x113: {  	_ = 	snop  }
0x114: {  	[tilespmem:s10], [sflag:$0x1] =	stream.indirect_vreg.gather [hbm4b:s1+s3], $0x80, v3, vm0, $0xb8;
	[tilespmem:$0x1E000] =	vst v63  }
0x115: {  	_ = 	snop  }
0x116: {  	[tilespmem:s12], [sflag:$0x1] =	stream.indirect_vreg.gather [hbm4b:s5+s3], $0x80, v3, vm0, $0xb8;
	[tilespmem:$0x1E000] =	vst v63  }
0x117: {  	v3 =	vld.msk [tilespmem:$0x2A0], $0xff;
	_ =	sdelay $0x4  }
0x118: {  	v54 =	vshll.u32 v3, $0x2  }
0x119: {  	v3 =	vand.u32 $0x7, v3;
	v4 =	vand.u32 $0xFFFFFFE0, v54  }
0x11a: {  	v3 =	vor.u32 v3, v4  }
0x11b: {  	v3 =	vperm.xlane v3, v0;
	_ =	sdelay $0x1  }
0x11c: {  	v3 =	vadd.s32 v1, v3;
	_ =	sdelay $0x4  }
0x11d: {  	[tilespmem:s13], [sflag:$0x1] =	stream.indirect_vreg.gather [hbm4b:s1+s3], $0x80, v3, vm0, $0xb8;
	[tilespmem:$0x1E000] =	vst v63  }
0x11e: {  	_ = 	snop  }
0x11f: {  	[tilespmem:s14], [sflag:$0x1] =	stream.indirect_vreg.gather [hbm4b:s5+s3], $0x80, v3, vm0, $0xb8;
	[tilespmem:$0x1E000] =	vst v63  }
0x120: {  	_ =	swait.ge [sflag:s19], $0x5000  }
0x121: {  	[sflag:s19] =	ssyncset.done $0x0  }
0x122: {  	s9 =	simm.s32 $0xF000;
	s28 =	rddreg [dreg:$0xc];
	[sflag:s19] =	ssyncadd.s32 $0xFFFFB000  }
0x123: {  	[hbm4b:s28+s3] =	stream.linear.scatter [tilespmem:s9], [sflag:$0x8], $0x5000, $0x38;
	[tilespmem:$0x1E000] =	vst v63  }
0x124: {  	_ =	swait.ge [sflag:s20], $0x5000  }
0x125: {  	[sflag:s20] =	ssyncset.done $0x0  }
0x126: {  	[sflag:s20] =	ssyncadd.s32 $0xFFFFB000  }
0x127: {  	v3 =	vld [tilespmem:$0x300];
	_ =	sdelay $0x4  }
0x128: {  	v55 =	vshll.u32 v3, $0x2  }
0x129: {  	v3 =	vand.u32 $0x7, v3;
	v4 =	vand.u32 $0xFFFFFFE0, v55  }
0x12a: {  	v3 =	vor.u32 v3, v4  }
0x12b: {  	v4 =	vperm.xlane v3, v0;
	_ =	sdelay $0x1  }
0x12c: {  	v4 =	vadd.s32 v1, v4;
	_ =	sdelay $0x1  }
0x12d: {  	v3 =	vperm.xlane v3, v2;
	_ =	sdelay $0x1  }
0x12e: {  	v3 =	vadd.s32 v1, v3  }
0x12f: {  	[tilespmem:s11], [sflag:$0x2] =	stream.indirect_vreg.gather [hbm4b:s1+s3], $0x80, v4, vm0, $0xb8;
	[tilespmem:$0x1E000] =	vst v63  }
0x130: {  	_ = 	snop  }
0x131: {  	[tilespmem:s15], [sflag:$0x2] =	stream.indirect_vreg.gather [hbm4b:s5+s3], $0x80, v4, vm0, $0xb8;
	[tilespmem:$0x1E000] =	vst v63  }
0x132: {  	_ = 	snop  }
0x133: {  	[tilespmem:s16], [sflag:$0x2] =	stream.indirect_vreg.gather [hbm4b:s1+s3], $0x80, v3, vm0, $0xb8;
	[tilespmem:$0x1E000] =	vst v63  }
0x134: {  	_ = 	snop  }
0x135: {  	[tilespmem:s21], [sflag:$0x2] =	stream.indirect_vreg.gather [hbm4b:s5+s3], $0x80, v3, vm0, $0xb8;
	[tilespmem:$0x1E000] =	vst v63  }
0x136: {  	v3 =	vld [tilespmem:$0x310];
	_ =	sdelay $0x4  }
0x137: {  	v56 =	vshll.u32 v3, $0x2  }
0x138: {  	v3 =	vand.u32 $0x7, v3;
	v4 =	vand.u32 $0xFFFFFFE0, v56  }
0x139: {  	v3 =	vor.u32 v3, v4  }
0x13a: {  	v4 =	vperm.xlane v3, v0;
	_ =	sdelay $0x1  }
0x13b: {  	v4 =	vadd.s32 v1, v4;
	_ =	sdelay $0x1  }
0x13c: {  	v3 =	vperm.xlane v3, v2;
	_ =	sdelay $0x1  }
0x13d: {  	v3 =	vadd.s32 v1, v3  }
0x13e: {  	[tilespmem:s29], [sflag:$0x2] =	stream.indirect_vreg.gather [hbm4b:s1+s3], $0x80, v4, vm0, $0xb8;
	[tilespmem:$0x1E000] =	vst v63  }
0x13f: {  	_ = 	snop  }
0x140: {  	[tilespmem:s4], [sflag:$0x2] =	stream.indirect_vreg.gather [hbm4b:s5+s3], $0x80, v4, vm0, $0xb8;
	[tilespmem:$0x1E000] =	vst v63  }
0x141: {  	_ = 	snop  }
0x142: {  	[tilespmem:s31], [sflag:$0x2] =	stream.indirect_vreg.gather [hbm4b:s1+s3], $0x80, v3, vm0, $0xb8;
	[tilespmem:$0x1E000] =	vst v63  }
0x143: {  	s12 =	simm.s32 $0xD800  }
0x144: {  	[tilespmem:s12], [sflag:$0x2] =	stream.indirect_vreg.gather [hbm4b:s5+s3], $0x80, v3, vm0, $0xb8;
	[tilespmem:$0x1E000] =	vst v63  }
0x145: {  	v3 =	vld.msk [tilespmem:$0x320], $0xff;
	_ =	sdelay $0x4  }
0x146: {  	v57 =	vshll.u32 v3, $0x2  }
0x147: {  	v3 =	vand.u32 $0x7, v3;
	v4 =	vand.u32 $0xFFFFFFE0, v57  }
0x148: {  	v3 =	vor.u32 v3, v4  }
0x149: {  	v3 =	vperm.xlane v3, v0;
	_ =	sdelay $0x1  }
0x14a: {  	v3 =	vadd.s32 v1, v3;
	_ =	sdelay $0x3  }
0x14b: {  	s13 =	simm.s32 $0xE000  }
0x14c: {  	[tilespmem:s13], [sflag:$0x2] =	stream.indirect_vreg.gather [hbm4b:s1+s3], $0x80, v3, vm0, $0xb8;
	[tilespmem:$0x1E000] =	vst v63  }
0x14d: {  	s14 =	simm.s32 $0xE800  }
0x14e: {  	[tilespmem:s14], [sflag:$0x2] =	stream.indirect_vreg.gather [hbm4b:s5+s3], $0x80, v3, vm0, $0xb8;
	[tilespmem:$0x1E000] =	vst v63  }
0x14f: {  	_ =	swait.ge [sflag:s22], $0x5000  }
0x150: {  	[sflag:s22] =	ssyncset.done $0x0  }
0x151: {  	s15 =	simm.s32 $0x14000;
	s28 =	rddreg [dreg:$0xd];
	[sflag:s22] =	ssyncadd.s32 $0xFFFFB000  }
0x152: {  	[hbm4b:s28+s3] =	stream.linear.scatter [tilespmem:s15], [sflag:$0x9], $0x5000, $0x38;
	[tilespmem:$0x1E000] =	vst v63  }
0x153: {  	_ =	swait.ge [sflag:s23], $0x5000  }
0x154: {  	[sflag:s23] =	ssyncset.done $0x0  }
0x155: {  	[sflag:s23] =	ssyncadd.s32 $0xFFFFB000  }
0x156: {  	v3 =	vld [tilespmem:$0x380];
	_ =	sdelay $0x4  }
0x157: {  	v58 =	vshll.u32 v3, $0x2  }
0x158: {  	v3 =	vand.u32 $0x7, v3;
	v4 =	vand.u32 $0xFFFFFFE0, v58  }
0x159: {  	v3 =	vor.u32 v3, v4  }
0x15a: {  	v4 =	vperm.xlane v3, v0;
	_ =	sdelay $0x1  }
0x15b: {  	v4 =	vadd.s32 v1, v4;
	_ =	sdelay $0x1  }
0x15c: {  	v3 =	vperm.xlane v3, v2;
	_ =	sdelay $0x1  }
0x15d: {  	s10 =	simm.s32 $0xF000;
	v3 =	vadd.s32 v1, v3  }
0x15e: {  	[tilespmem:s10], [sflag:$0x3] =	stream.indirect_vreg.gather [hbm4b:s1+s3], $0x80, v4, vm0, $0xb8;
	[tilespmem:$0x1E000] =	vst v63  }
0x15f: {  	s16 =	simm.s32 $0xF800  }
0x160: {  	[tilespmem:s16], [sflag:$0x3] =	stream.indirect_vreg.gather [hbm4b:s5+s3], $0x80, v4, vm0, $0xb8;
	[tilespmem:$0x1E000] =	vst v63  }
0x161: {  	s18 =	simm.s32 $0x10000  }
0x162: {  	[tilespmem:s18], [sflag:$0x3] =	stream.indirect_vreg.gather [hbm4b:s1+s3], $0x80, v3, vm0, $0xb8;
	[tilespmem:$0x1E000] =	vst v63  }
0x163: {  	s21 =	simm.s32 $0x10800  }
0x164: {  	[tilespmem:s21], [sflag:$0x3] =	stream.indirect_vreg.gather [hbm4b:s5+s3], $0x80, v3, vm0, $0xb8;
	[tilespmem:$0x1E000] =	vst v63  }
0x165: {  	v3 =	vld [tilespmem:$0x390];
	_ =	sdelay $0x4  }
0x166: {  	v59 =	vshll.u32 v3, $0x2  }
0x167: {  	v3 =	vand.u32 $0x7, v3;
	v4 =	vand.u32 $0xFFFFFFE0, v59  }
0x168: {  	v3 =	vor.u32 v3, v4  }
0x169: {  	v4 =	vperm.xlane v3, v0;
	_ =	sdelay $0x1  }
0x16a: {  	v4 =	vadd.s32 v1, v4;
	_ =	sdelay $0x1  }
0x16b: {  	v3 =	vperm.xlane v3, v2;
	_ =	sdelay $0x1  }
0x16c: {  	s29 =	simm.s32 $0x11000;
	v3 =	vadd.s32 v1, v3  }
0x16d: {  	[tilespmem:s29], [sflag:$0x3] =	stream.indirect_vreg.gather [hbm4b:s1+s3], $0x80, v4, vm0, $0xb8;
	[tilespmem:$0x1E000] =	vst v63  }
0x16e: {  	s31 =	simm.s32 $0x11800  }
0x16f: {  	[tilespmem:s31], [sflag:$0x3] =	stream.indirect_vreg.gather [hbm4b:s5+s3], $0x80, v4, vm0, $0xb8;
	[tilespmem:$0x1E000] =	vst v63  }
0x170: {  	s7 =	simm.s32 $0x12000  }
0x171: {  	[tilespmem:s7], [sflag:$0x3] =	stream.indirect_vreg.gather [hbm4b:s1+s3], $0x80, v3, vm0, $0xb8;
	[tilespmem:$0x1E000] =	vst v63  }
0x172: {  	s8 =	simm.s32 $0x12800  }
0x173: {  	[tilespmem:s8], [sflag:$0x3] =	stream.indirect_vreg.gather [hbm4b:s5+s3], $0x80, v3, vm0, $0xb8;
	[tilespmem:$0x1E000] =	vst v63  }
0x174: {  	v3 =	vld.msk [tilespmem:$0x3A0], $0xff;
	_ =	sdelay $0x4  }
0x175: {  	v60 =	vshll.u32 v3, $0x2  }
0x176: {  	v3 =	vand.u32 $0x7, v3;
	v4 =	vand.u32 $0xFFFFFFE0, v60  }
0x177: {  	v3 =	vor.u32 v3, v4  }
0x178: {  	v3 =	vperm.xlane v3, v0;
	_ =	sdelay $0x1  }
0x179: {  	v3 =	vadd.s32 v1, v3;
	_ =	sdelay $0x3  }
0x17a: {  	s9 =	simm.s32 $0x13000  }
0x17b: {  	[tilespmem:s9], [sflag:$0x3] =	stream.indirect_vreg.gather [hbm4b:s1+s3], $0x80, v3, vm0, $0xb8;
	[tilespmem:$0x1E000] =	vst v63  }
0x17c: {  	s10 =	simm.s32 $0x13800  }
0x17d: {  	[tilespmem:s10], [sflag:$0x3] =	stream.indirect_vreg.gather [hbm4b:s5+s3], $0x80, v3, vm0, $0xb8;
	[tilespmem:$0x1E000] =	vst v63  }
0x17e: {  	_ =	swait.ge [sflag:s24], $0x5000  }
0x17f: {  	[sflag:s24] =	ssyncset.done $0x0  }
0x180: {  	s11 =	simm.s32 $0x19000;
	s28 =	rddreg [dreg:$0xe];
	[sflag:s24] =	ssyncadd.s32 $0xFFFFB000  }
0x181: {  	[hbm4b:s28+s3] =	stream.linear.scatter [tilespmem:s11], [sflag:$0xA], $0x5000, $0x38;
	[tilespmem:$0x1E000] =	vst v63  }
0x182: {  	_ =	swait.ge [sflag:s25], $0x5000  }
0x183: {  	[sflag:s25] =	ssyncset.done $0x0  }
0x184: {  	[sflag:s25] =	ssyncadd.s32 $0xFFFFB000  }
0x185: {  	v3 =	vld [tilespmem:$0x400];
	_ =	sdelay $0x4  }
0x186: {  	v61 =	vshll.u32 v3, $0x2  }
0x187: {  	v3 =	vand.u32 $0x7, v3;
	v4 =	vand.u32 $0xFFFFFFE0, v61  }
0x188: {  	v3 =	vor.u32 v3, v4  }
0x189: {  	v4 =	vperm.xlane v3, v0;
	_ =	sdelay $0x1  }
0x18a: {  	v4 =	vadd.s32 v1, v4;
	_ =	sdelay $0x1  }
0x18b: {  	v3 =	vperm.xlane v3, v2;
	_ =	sdelay $0x1  }
0x18c: {  	v3 =	vadd.s32 v1, v3  }
0x18d: {  	[tilespmem:s15], [sflag:$0x4] =	stream.indirect_vreg.gather [hbm4b:s1+s3], $0x80, v4, vm0, $0xb8;
	[tilespmem:$0x1E000] =	vst v63  }
0x18e: {  	s12 =	simm.s32 $0x14800  }
0x18f: {  	[tilespmem:s12], [sflag:$0x4] =	stream.indirect_vreg.gather [hbm4b:s5+s3], $0x80, v4, vm0, $0xb8;
	[tilespmem:$0x1E000] =	vst v63  }
0x190: {  	s13 =	simm.s32 $0x15000  }
0x191: {  	[tilespmem:s13], [sflag:$0x4] =	stream.indirect_vreg.gather [hbm4b:s1+s3], $0x80, v3, vm0, $0xb8;
	[tilespmem:$0x1E000] =	vst v63  }
0x192: {  	s14 =	simm.s32 $0x15800  }
0x193: {  	[tilespmem:s14], [sflag:$0x4] =	stream.indirect_vreg.gather [hbm4b:s5+s3], $0x80, v3, vm0, $0xb8;
	[tilespmem:$0x1E000] =	vst v63  }
0x194: {  	v3 =	vld [tilespmem:$0x410];
	_ =	sdelay $0x4  }
0x195: {  	v62 =	vshll.u32 v3, $0x2  }
0x196: {  	v3 =	vand.u32 $0x7, v3;
	v4 =	vand.u32 $0xFFFFFFE0, v62  }
0x197: {  	v3 =	vor.u32 v3, v4  }
0x198: {  	v4 =	vperm.xlane v3, v0;
	_ =	sdelay $0x1  }
0x199: {  	v4 =	vadd.s32 v1, v4;
	_ =	sdelay $0x1  }
0x19a: {  	v3 =	vperm.xlane v3, v2;
	_ =	sdelay $0x1  }
0x19b: {  	s15 =	simm.s32 $0x16000;
	v3 =	vadd.s32 v1, v3  }
0x19c: {  	[tilespmem:s15], [sflag:$0x4] =	stream.indirect_vreg.gather [hbm4b:s1+s3], $0x80, v4, vm0, $0xb8;
	[tilespmem:$0x1E000] =	vst v63  }
0x19d: {  	s16 =	simm.s32 $0x16800  }
0x19e: {  	[tilespmem:s16], [sflag:$0x4] =	stream.indirect_vreg.gather [hbm4b:s5+s3], $0x80, v4, vm0, $0xb8;
	[tilespmem:$0x1E000] =	vst v63  }
0x19f: {  	s18 =	simm.s32 $0x17000  }
0x1a0: {  	[tilespmem:s18], [sflag:$0x4] =	stream.indirect_vreg.gather [hbm4b:s1+s3], $0x80, v3, vm0, $0xb8;
	[tilespmem:$0x1E000] =	vst v63  }
0x1a1: {  	s21 =	simm.s32 $0x17800  }
0x1a2: {  	[tilespmem:s21], [sflag:$0x4] =	stream.indirect_vreg.gather [hbm4b:s5+s3], $0x80, v3, vm0, $0xb8;
	[tilespmem:$0x1E000] =	vst v63  }
0x1a3: {  	v3 =	vld.msk [tilespmem:$0x420], $0xff;
	_ =	sdelay $0x4  }
0x1a4: {  	v63 =	vshll.u32 v3, $0x2  }
0x1a5: {  	v3 =	vand.u32 $0x7, v3;
	v4 =	vand.u32 $0xFFFFFFE0, v63  }
0x1a6: {  	v3 =	vor.u32 v3, v4  }
0x1a7: {  	v3 =	vperm.xlane v3, v0;
	_ =	sdelay $0x1  }
0x1a8: {  	v3 =	vadd.s32 v1, v3;
	_ =	sdelay $0x1  }
0x1a9: {  	s30 =	simm.s32 $0x0;
	s4 =	simm.s32 $0xC000;
	s29 =	simm.s32 $0x18000  }
0x1aa: {  	s31 =	simm.s32 $0x18800;
	s7 =	simm.s32 $0xC800;
	s8 =	simm.s32 $0x6800  }
0x1ab: {  	s9 =	simm.s32 $0xD000;
	s10 =	simm.s32 $0x7800;
	s28 =	simm.s32 $0x6A0  }
0x1ac: {  	[tilespmem:s29], [sflag:$0x4] =	stream.indirect_vreg.gather [hbm4b:s1+s3], $0x80, v3, vm0, $0xb8;
	[tilespmem:$0x1E000] =	vst v63  }
0x1ad: {  	s13 =	simm.s32 $0x8800;
	s15 =	simm.s32 $0x9800;
	s18 =	simm.s32 $0xB000  }
0x1ae: {  	[tilespmem:s31], [sflag:$0x4] =	stream.indirect_vreg.gather [hbm4b:s5+s3], $0x80, v3, vm0, $0xb8;
	[tilespmem:$0x1E000] =	vst v63  }
.LBB2_2:
0x1af: {  	_ =	swait.ge [sflag:s0], $0x5000  }
0x1b0: {  	s31 =	rddreg [dreg:$0x5];
	[sflag:s0] =	ssyncset.done $0x0  }
0x1b1: {  	s11 =	simm.s32 $0x5000;
	[sflag:s0] =	ssyncadd.s32 $0xFFFFB000;
	s31 =	sadd.s32 s30, s31  }
0x1b2: {  	[hbm4b:s31+s3] =	stream.linear.scatter [tilespmem:s11], [sflag:$0x6], $0x5000, $0x38;
	[tilespmem:$0x1E000] =	vst v63  }
0x1b3: {  	_ =	swait.ge [sflag:s26], $0x5000  }
0x1b4: {  	[sflag:s26] =	ssyncset.done $0x0  }
0x1b5: {  	[sflag:s26] =	ssyncadd.s32 $0xFFFFB000  }
0x1b6: {  	v3 =	vld [tilespmem:s28+$0xFFFFFDE0];
	_ =	sdelay $0x4  }
0x1b7: {  	v4 =	vshll.u32 v3, $0x2  }
0x1b8: {  	v3 =	vand.u32 $0x7, v3;
	v4 =	vand.u32 $0xFFFFFFE0, v4  }
0x1b9: {  	v3 =	vor.u32 v3, v4  }
0x1ba: {  	v4 =	vperm.xlane v3, v0;
	_ =	sdelay $0x1  }
0x1bb: {  	v4 =	vadd.s32 v1, v4;
	_ =	sdelay $0x1  }
0x1bc: {  	v3 =	vperm.xlane v3, v2;
	_ =	sdelay $0x1  }
0x1bd: {  	s2 =	simm.s32 $0x19000;
	v3 =	vadd.s32 v1, v3  }
0x1be: {  	[tilespmem:s2], [sflag:$0x5] =	stream.indirect_vreg.gather [hbm4b:s1+s3], $0x80, v4, vm0, $0xb8;
	[tilespmem:$0x1E000] =	vst v63  }
0x1bf: {  	s12 =	simm.s32 $0x19800  }
0x1c0: {  	[tilespmem:s12], [sflag:$0x5] =	stream.indirect_vreg.gather [hbm4b:s5+s3], $0x80, v4, vm0, $0xb8;
	[tilespmem:$0x1E000] =	vst v63  }
0x1c1: {  	s21 =	simm.s32 $0x1A000  }
0x1c2: {  	[tilespmem:s21], [sflag:$0x5] =	stream.indirect_vreg.gather [hbm4b:s1+s3], $0x80, v3, vm0, $0xb8;
	[tilespmem:$0x1E000] =	vst v63  }
0x1c3: {  	s31 =	simm.s32 $0x1A800  }
0x1c4: {  	[tilespmem:s31], [sflag:$0x5] =	stream.indirect_vreg.gather [hbm4b:s5+s3], $0x80, v3, vm0, $0xb8;
	[tilespmem:$0x1E000] =	vst v63  }
0x1c5: {  	v3 =	vld [tilespmem:s28+$0xFFFFFDF0];
	_ =	sdelay $0x4  }
0x1c6: {  	v50 =	vshll.u32 v3, $0x2  }
0x1c7: {  	v3 =	vand.u32 $0x7, v3;
	v4 =	vand.u32 $0xFFFFFFE0, v50  }
0x1c8: {  	v3 =	vor.u32 v3, v4  }
0x1c9: {  	v4 =	vperm.xlane v3, v0;
	_ =	sdelay $0x1  }
0x1ca: {  	v4 =	vadd.s32 v1, v4;
	_ =	sdelay $0x1  }
0x1cb: {  	v3 =	vperm.xlane v3, v2;
	_ =	sdelay $0x1  }
0x1cc: {  	s14 =	simm.s32 $0x1B000;
	v3 =	vadd.s32 v1, v3  }
0x1cd: {  	[tilespmem:s14], [sflag:$0x5] =	stream.indirect_vreg.gather [hbm4b:s1+s3], $0x80, v4, vm0, $0xb8;
	[tilespmem:$0x1E000] =	vst v63  }
0x1ce: {  	s16 =	simm.s32 $0x1B800  }
0x1cf: {  	[tilespmem:s16], [sflag:$0x5] =	stream.indirect_vreg.gather [hbm4b:s5+s3], $0x80, v4, vm0, $0xb8;
	[tilespmem:$0x1E000] =	vst v63  }
0x1d0: {  	s21 =	simm.s32 $0x1C000  }
0x1d1: {  	[tilespmem:s21], [sflag:$0x5] =	stream.indirect_vreg.gather [hbm4b:s1+s3], $0x80, v3, vm0, $0xb8;
	[tilespmem:$0x1E000] =	vst v63  }
0x1d2: {  	s31 =	simm.s32 $0x1C800  }
0x1d3: {  	[tilespmem:s31], [sflag:$0x5] =	stream.indirect_vreg.gather [hbm4b:s5+s3], $0x80, v3, vm0, $0xb8;
	[tilespmem:$0x1E000] =	vst v63  }
0x1d4: {  	v3 =	vld.msk [tilespmem:s28+$0xFFFFFE00], $0xff;
	_ =	sdelay $0x4  }
0x1d5: {  	v51 =	vshll.u32 v3, $0x2  }
0x1d6: {  	v3 =	vand.u32 $0x7, v3;
	v4 =	vand.u32 $0xFFFFFFE0, v51  }
0x1d7: {  	v3 =	vor.u32 v3, v4  }
0x1d8: {  	v3 =	vperm.xlane v3, v0;
	_ =	sdelay $0x1  }
0x1d9: {  	v3 =	vadd.s32 v1, v3;
	_ =	sdelay $0x3  }
0x1da: {  	s14 =	simm.s32 $0x1D000  }
0x1db: {  	[tilespmem:s14], [sflag:$0x5] =	stream.indirect_vreg.gather [hbm4b:s1+s3], $0x80, v3, vm0, $0xb8;
	[tilespmem:$0x1E000] =	vst v63  }
0x1dc: {  	s16 =	simm.s32 $0x1D800  }
0x1dd: {  	[tilespmem:s16], [sflag:$0x5] =	stream.indirect_vreg.gather [hbm4b:s5+s3], $0x80, v3, vm0, $0xb8;
	[tilespmem:$0x1E000] =	vst v63  }
0x1de: {  	_ =	swait.ge [sflag:s6], $0x5000  }
0x1df: {  	s21 =	rddreg [dreg:$0x6];
	[sflag:s6] =	ssyncset.done $0x0  }
0x1e0: {  	[sflag:s6] =	ssyncadd.s32 $0xFFFFB000;
	s31 =	sadd.s32 s30, s21;
	s21 =	simm.s32 $0xA000  }
0x1e1: {  	[hbm4b:s31+s3] =	stream.linear.scatter [tilespmem:s21], [sflag:$0x7], $0x5000, $0x38;
	[tilespmem:$0x1E000] =	vst v63  }
0x1e2: {  	_ =	swait.ge [sflag:s17], $0x5000  }
0x1e3: {  	[sflag:s17] =	ssyncset.done $0x0  }
0x1e4: {  	[sflag:s17] =	ssyncadd.s32 $0xFFFFB000  }
0x1e5: {  	v3 =	vld [tilespmem:s28+$0xFFFFFE60];
	_ =	sdelay $0x4  }
0x1e6: {  	v52 =	vshll.u32 v3, $0x2  }
0x1e7: {  	v3 =	vand.u32 $0x7, v3;
	v4 =	vand.u32 $0xFFFFFFE0, v52  }
0x1e8: {  	v3 =	vor.u32 v3, v4  }
0x1e9: {  	v4 =	vperm.xlane v3, v0;
	_ =	sdelay $0x1  }
0x1ea: {  	v4 =	vadd.s32 v1, v4;
	_ =	sdelay $0x1  }
0x1eb: {  	v3 =	vperm.xlane v3, v2;
	_ =	sdelay $0x1  }
0x1ec: {  	v3 =	vadd.s32 v1, v3  }
0x1ed: {  	[tilespmem:s11], [sflag:$0x1] =	stream.indirect_vreg.gather [hbm4b:s1+s3], $0x80, v4, vm0, $0xb8;
	[tilespmem:$0x1E000] =	vst v63  }
0x1ee: {  	s12 =	simm.s32 $0x5800  }
0x1ef: {  	[tilespmem:s12], [sflag:$0x1] =	stream.indirect_vreg.gather [hbm4b:s5+s3], $0x80, v4, vm0, $0xb8;
	[tilespmem:$0x1E000] =	vst v63  }
0x1f0: {  	s14 =	simm.s32 $0x6000  }
0x1f1: {  	[tilespmem:s14], [sflag:$0x1] =	stream.indirect_vreg.gather [hbm4b:s1+s3], $0x80, v3, vm0, $0xb8;
	[tilespmem:$0x1E000] =	vst v63  }
0x1f2: {  	_ = 	snop  }
0x1f3: {  	[tilespmem:s8], [sflag:$0x1] =	stream.indirect_vreg.gather [hbm4b:s5+s3], $0x80, v3, vm0, $0xb8;
	[tilespmem:$0x1E000] =	vst v63  }
0x1f4: {  	v3 =	vld [tilespmem:s28+$0xFFFFFE70];
	_ =	sdelay $0x4  }
0x1f5: {  	v53 =	vshll.u32 v3, $0x2  }
0x1f6: {  	v3 =	vand.u32 $0x7, v3;
	v4 =	vand.u32 $0xFFFFFFE0, v53  }
0x1f7: {  	v3 =	vor.u32 v3, v4  }
0x1f8: {  	v4 =	vperm.xlane v3, v0;
	_ =	sdelay $0x1  }
0x1f9: {  	v4 =	vadd.s32 v1, v4;
	_ =	sdelay $0x1  }
0x1fa: {  	v3 =	vperm.xlane v3, v2;
	_ =	sdelay $0x1  }
0x1fb: {  	s16 =	simm.s32 $0x7000;
	v3 =	vadd.s32 v1, v3  }
0x1fc: {  	[tilespmem:s16], [sflag:$0x1] =	stream.indirect_vreg.gather [hbm4b:s1+s3], $0x80, v4, vm0, $0xb8;
	[tilespmem:$0x1E000] =	vst v63  }
0x1fd: {  	_ = 	snop  }
0x1fe: {  	[tilespmem:s10], [sflag:$0x1] =	stream.indirect_vreg.gather [hbm4b:s5+s3], $0x80, v4, vm0, $0xb8;
	[tilespmem:$0x1E000] =	vst v63  }
0x1ff: {  	s31 =	simm.s32 $0x8000  }
0x200: {  	[tilespmem:s31], [sflag:$0x1] =	stream.indirect_vreg.gather [hbm4b:s1+s3], $0x80, v3, vm0, $0xb8;
	[tilespmem:$0x1E000] =	vst v63  }
0x201: {  	_ = 	snop  }
0x202: {  	[tilespmem:s13], [sflag:$0x1] =	stream.indirect_vreg.gather [hbm4b:s5+s3], $0x80, v3, vm0, $0xb8;
	[tilespmem:$0x1E000] =	vst v63  }
0x203: {  	v3 =	vld.msk [tilespmem:s28+$0xFFFFFE80], $0xff;
	_ =	sdelay $0x4  }
0x204: {  	v54 =	vshll.u32 v3, $0x2  }
0x205: {  	v3 =	vand.u32 $0x7, v3;
	v4 =	vand.u32 $0xFFFFFFE0, v54  }
0x206: {  	v3 =	vor.u32 v3, v4  }
0x207: {  	v3 =	vperm.xlane v3, v0;
	_ =	sdelay $0x1  }
0x208: {  	v3 =	vadd.s32 v1, v3;
	_ =	sdelay $0x3  }
0x209: {  	s12 =	simm.s32 $0x9000  }
0x20a: {  	[tilespmem:s12], [sflag:$0x1] =	stream.indirect_vreg.gather [hbm4b:s1+s3], $0x80, v3, vm0, $0xb8;
	[tilespmem:$0x1E000] =	vst v63  }
0x20b: {  	_ = 	snop  }
0x20c: {  	[tilespmem:s15], [sflag:$0x1] =	stream.indirect_vreg.gather [hbm4b:s5+s3], $0x80, v3, vm0, $0xb8;
	[tilespmem:$0x1E000] =	vst v63  }
0x20d: {  	_ =	swait.ge [sflag:s19], $0x5000  }
0x20e: {  	s14 =	rddreg [dreg:$0x7];
	[sflag:s19] =	ssyncset.done $0x0  }
0x20f: {  	[sflag:s19] =	ssyncadd.s32 $0xFFFFB000;
	s31 =	sadd.s32 s30, s14;
	s14 =	simm.s32 $0xF000  }
0x210: {  	[hbm4b:s31+s3] =	stream.linear.scatter [tilespmem:s14], [sflag:$0x8], $0x5000, $0x38;
	[tilespmem:$0x1E000] =	vst v63  }
0x211: {  	_ =	swait.ge [sflag:s20], $0x5000  }
0x212: {  	[sflag:s20] =	ssyncset.done $0x0  }
0x213: {  	[sflag:s20] =	ssyncadd.s32 $0xFFFFB000  }
0x214: {  	v3 =	vld [tilespmem:s28+$0xFFFFFEE0];
	_ =	sdelay $0x4  }
0x215: {  	v55 =	vshll.u32 v3, $0x2  }
0x216: {  	v3 =	vand.u32 $0x7, v3;
	v4 =	vand.u32 $0xFFFFFFE0, v55  }
0x217: {  	v3 =	vor.u32 v3, v4  }
0x218: {  	v4 =	vperm.xlane v3, v0;
	_ =	sdelay $0x1  }
0x219: {  	v4 =	vadd.s32 v1, v4;
	_ =	sdelay $0x1  }
0x21a: {  	v3 =	vperm.xlane v3, v2;
	_ =	sdelay $0x1  }
0x21b: {  	v3 =	vadd.s32 v1, v3  }
0x21c: {  	[tilespmem:s21], [sflag:$0x2] =	stream.indirect_vreg.gather [hbm4b:s1+s3], $0x80, v4, vm0, $0xb8;
	[tilespmem:$0x1E000] =	vst v63  }
0x21d: {  	s16 =	simm.s32 $0xA800  }
0x21e: {  	[tilespmem:s16], [sflag:$0x2] =	stream.indirect_vreg.gather [hbm4b:s5+s3], $0x80, v4, vm0, $0xb8;
	[tilespmem:$0x1E000] =	vst v63  }
0x21f: {  	_ = 	snop  }
0x220: {  	[tilespmem:s18], [sflag:$0x2] =	stream.indirect_vreg.gather [hbm4b:s1+s3], $0x80, v3, vm0, $0xb8;
	[tilespmem:$0x1E000] =	vst v63  }
0x221: {  	s21 =	simm.s32 $0xB800  }
0x222: {  	[tilespmem:s21], [sflag:$0x2] =	stream.indirect_vreg.gather [hbm4b:s5+s3], $0x80, v3, vm0, $0xb8;
	[tilespmem:$0x1E000] =	vst v63  }
0x223: {  	v3 =	vld [tilespmem:s28+$0xFFFFFEF0];
	_ =	sdelay $0x4  }
0x224: {  	v56 =	vshll.u32 v3, $0x2  }
0x225: {  	v3 =	vand.u32 $0x7, v3;
	v4 =	vand.u32 $0xFFFFFFE0, v56  }
0x226: {  	v3 =	vor.u32 v3, v4  }
0x227: {  	v4 =	vperm.xlane v3, v0;
	_ =	sdelay $0x1  }
0x228: {  	v4 =	vadd.s32 v1, v4;
	_ =	sdelay $0x1  }
0x229: {  	v3 =	vperm.xlane v3, v2;
	_ =	sdelay $0x1  }
0x22a: {  	v3 =	vadd.s32 v1, v3  }
0x22b: {  	[tilespmem:s4], [sflag:$0x2] =	stream.indirect_vreg.gather [hbm4b:s1+s3], $0x80, v4, vm0, $0xb8;
	[tilespmem:$0x1E000] =	vst v63  }
0x22c: {  	_ = 	snop  }
0x22d: {  	[tilespmem:s7], [sflag:$0x2] =	stream.indirect_vreg.gather [hbm4b:s5+s3], $0x80, v4, vm0, $0xb8;
	[tilespmem:$0x1E000] =	vst v63  }
0x22e: {  	_ = 	snop  }
0x22f: {  	[tilespmem:s9], [sflag:$0x2] =	stream.indirect_vreg.gather [hbm4b:s1+s3], $0x80, v3, vm0, $0xb8;
	[tilespmem:$0x1E000] =	vst v63  }
0x230: {  	s31 =	simm.s32 $0xD800  }
0x231: {  	[tilespmem:s31], [sflag:$0x2] =	stream.indirect_vreg.gather [hbm4b:s5+s3], $0x80, v3, vm0, $0xb8;
	[tilespmem:$0x1E000] =	vst v63  }
0x232: {  	v3 =	vld.msk [tilespmem:s28+$0xFFFFFF00], $0xff;
	_ =	sdelay $0x4  }
0x233: {  	v57 =	vshll.u32 v3, $0x2  }
0x234: {  	v3 =	vand.u32 $0x7, v3;
	v4 =	vand.u32 $0xFFFFFFE0, v57  }
0x235: {  	v3 =	vor.u32 v3, v4  }
0x236: {  	v3 =	vperm.xlane v3, v0;
	_ =	sdelay $0x1  }
0x237: {  	v3 =	vadd.s32 v1, v3;
	_ =	sdelay $0x3  }
0x238: {  	s16 =	simm.s32 $0xE000  }
0x239: {  	[tilespmem:s16], [sflag:$0x2] =	stream.indirect_vreg.gather [hbm4b:s1+s3], $0x80, v3, vm0, $0xb8;
	[tilespmem:$0x1E000] =	vst v63  }
0x23a: {  	s31 =	simm.s32 $0xE800  }
0x23b: {  	[tilespmem:s31], [sflag:$0x2] =	stream.indirect_vreg.gather [hbm4b:s5+s3], $0x80, v3, vm0, $0xb8;
	[tilespmem:$0x1E000] =	vst v63  }
0x23c: {  	_ =	swait.ge [sflag:s22], $0x5000  }
0x23d: {  	s16 =	rddreg [dreg:$0x8];
	[sflag:s22] =	ssyncset.done $0x0  }
0x23e: {  	[sflag:s22] =	ssyncadd.s32 $0xFFFFB000;
	s31 =	sadd.s32 s30, s16;
	s16 =	simm.s32 $0x14000  }
0x23f: {  	[hbm4b:s31+s3] =	stream.linear.scatter [tilespmem:s16], [sflag:$0x9], $0x5000, $0x38;
	[tilespmem:$0x1E000] =	vst v63  }
0x240: {  	_ =	swait.ge [sflag:s23], $0x5000  }
0x241: {  	[sflag:s23] =	ssyncset.done $0x0  }
0x242: {  	[sflag:s23] =	ssyncadd.s32 $0xFFFFB000  }
0x243: {  	v3 =	vld [tilespmem:s28+$0xFFFFFF60];
	_ =	sdelay $0x4  }
0x244: {  	v58 =	vshll.u32 v3, $0x2  }
0x245: {  	v3 =	vand.u32 $0x7, v3;
	v4 =	vand.u32 $0xFFFFFFE0, v58  }
0x246: {  	v3 =	vor.u32 v3, v4  }
0x247: {  	v4 =	vperm.xlane v3, v0;
	_ =	sdelay $0x1  }
0x248: {  	v4 =	vadd.s32 v1, v4;
	_ =	sdelay $0x1  }
0x249: {  	v3 =	vperm.xlane v3, v2;
	_ =	sdelay $0x1  }
0x24a: {  	v3 =	vadd.s32 v1, v3  }
0x24b: {  	[tilespmem:s14], [sflag:$0x3] =	stream.indirect_vreg.gather [hbm4b:s1+s3], $0x80, v4, vm0, $0xb8;
	[tilespmem:$0x1E000] =	vst v63  }
0x24c: {  	s31 =	simm.s32 $0xF800  }
0x24d: {  	[tilespmem:s31], [sflag:$0x3] =	stream.indirect_vreg.gather [hbm4b:s5+s3], $0x80, v4, vm0, $0xb8;
	[tilespmem:$0x1E000] =	vst v63  }
0x24e: {  	s31 =	simm.s32 $0x10000  }
0x24f: {  	[tilespmem:s31], [sflag:$0x3] =	stream.indirect_vreg.gather [hbm4b:s1+s3], $0x80, v3, vm0, $0xb8;
	[tilespmem:$0x1E000] =	vst v63  }
0x250: {  	s31 =	simm.s32 $0x10800  }
0x251: {  	[tilespmem:s31], [sflag:$0x3] =	stream.indirect_vreg.gather [hbm4b:s5+s3], $0x80, v3, vm0, $0xb8;
	[tilespmem:$0x1E000] =	vst v63  }
0x252: {  	v3 =	vld [tilespmem:s28+$0xFFFFFF70];
	_ =	sdelay $0x4  }
0x253: {  	v59 =	vshll.u32 v3, $0x2  }
0x254: {  	v3 =	vand.u32 $0x7, v3;
	v4 =	vand.u32 $0xFFFFFFE0, v59  }
0x255: {  	v3 =	vor.u32 v3, v4  }
0x256: {  	v4 =	vperm.xlane v3, v0;
	_ =	sdelay $0x1  }
0x257: {  	v4 =	vadd.s32 v1, v4;
	_ =	sdelay $0x1  }
0x258: {  	v3 =	vperm.xlane v3, v2;
	_ =	sdelay $0x1  }
0x259: {  	s31 =	simm.s32 $0x11000;
	v3 =	vadd.s32 v1, v3  }
0x25a: {  	[tilespmem:s31], [sflag:$0x3] =	stream.indirect_vreg.gather [hbm4b:s1+s3], $0x80, v4, vm0, $0xb8;
	[tilespmem:$0x1E000] =	vst v63  }
0x25b: {  	s31 =	simm.s32 $0x11800  }
0x25c: {  	[tilespmem:s31], [sflag:$0x3] =	stream.indirect_vreg.gather [hbm4b:s5+s3], $0x80, v4, vm0, $0xb8;
	[tilespmem:$0x1E000] =	vst v63  }
0x25d: {  	s31 =	simm.s32 $0x12000  }
0x25e: {  	[tilespmem:s31], [sflag:$0x3] =	stream.indirect_vreg.gather [hbm4b:s1+s3], $0x80, v3, vm0, $0xb8;
	[tilespmem:$0x1E000] =	vst v63  }
0x25f: {  	s31 =	simm.s32 $0x12800  }
0x260: {  	[tilespmem:s31], [sflag:$0x3] =	stream.indirect_vreg.gather [hbm4b:s5+s3], $0x80, v3, vm0, $0xb8;
	[tilespmem:$0x1E000] =	vst v63  }
0x261: {  	v3 =	vld.msk [tilespmem:s28+$0xFFFFFF80], $0xff;
	_ =	sdelay $0x4  }
0x262: {  	v60 =	vshll.u32 v3, $0x2  }
0x263: {  	v3 =	vand.u32 $0x7, v3;
	v4 =	vand.u32 $0xFFFFFFE0, v60  }
0x264: {  	v3 =	vor.u32 v3, v4  }
0x265: {  	v3 =	vperm.xlane v3, v0;
	_ =	sdelay $0x1  }
0x266: {  	v3 =	vadd.s32 v1, v3;
	_ =	sdelay $0x3  }
0x267: {  	s31 =	simm.s32 $0x13000  }
0x268: {  	[tilespmem:s31], [sflag:$0x3] =	stream.indirect_vreg.gather [hbm4b:s1+s3], $0x80, v3, vm0, $0xb8;
	[tilespmem:$0x1E000] =	vst v63  }
0x269: {  	s31 =	simm.s32 $0x13800  }
0x26a: {  	[tilespmem:s31], [sflag:$0x3] =	stream.indirect_vreg.gather [hbm4b:s5+s3], $0x80, v3, vm0, $0xb8;
	[tilespmem:$0x1E000] =	vst v63  }
0x26b: {  	_ =	swait.ge [sflag:s24], $0x5000  }
0x26c: {  	s14 =	rddreg [dreg:$0x4];
	[sflag:s24] =	ssyncset.done $0x0  }
0x26d: {  	[sflag:s24] =	ssyncadd.s32 $0xFFFFB000;
	s31 =	sadd.s32 s30, s14  }
0x26e: {  	[hbm4b:s31+s3] =	stream.linear.scatter [tilespmem:s2], [sflag:$0xA], $0x5000, $0x38;
	[tilespmem:$0x1E000] =	vst v63  }
0x26f: {  	_ =	swait.ge [sflag:s25], $0x5000  }
0x270: {  	[sflag:s25] =	ssyncset.done $0x0  }
0x271: {  	[sflag:s25] =	ssyncadd.s32 $0xFFFFB000  }
0x272: {  	v3 =	vld [tilespmem:s28+$0xFFFFFFE0];
	_ =	sdelay $0x4  }
0x273: {  	v61 =	vshll.u32 v3, $0x2  }
0x274: {  	v3 =	vand.u32 $0x7, v3;
	v4 =	vand.u32 $0xFFFFFFE0, v61  }
0x275: {  	v3 =	vor.u32 v3, v4  }
0x276: {  	v4 =	vperm.xlane v3, v0;
	_ =	sdelay $0x1  }
0x277: {  	v4 =	vadd.s32 v1, v4;
	_ =	sdelay $0x1  }
0x278: {  	v3 =	vperm.xlane v3, v2;
	_ =	sdelay $0x1  }
0x279: {  	v3 =	vadd.s32 v1, v3  }
0x27a: {  	[tilespmem:s16], [sflag:$0x4] =	stream.indirect_vreg.gather [hbm4b:s1+s3], $0x80, v4, vm0, $0xb8;
	[tilespmem:$0x1E000] =	vst v63  }
0x27b: {  	s31 =	simm.s32 $0x14800  }
0x27c: {  	[tilespmem:s31], [sflag:$0x4] =	stream.indirect_vreg.gather [hbm4b:s5+s3], $0x80, v4, vm0, $0xb8;
	[tilespmem:$0x1E000] =	vst v63  }
0x27d: {  	s16 =	simm.s32 $0x15000  }
0x27e: {  	[tilespmem:s16], [sflag:$0x4] =	stream.indirect_vreg.gather [hbm4b:s1+s3], $0x80, v3, vm0, $0xb8;
	[tilespmem:$0x1E000] =	vst v63  }
0x27f: {  	s31 =	simm.s32 $0x15800  }
0x280: {  	[tilespmem:s31], [sflag:$0x4] =	stream.indirect_vreg.gather [hbm4b:s5+s3], $0x80, v3, vm0, $0xb8;
	[tilespmem:$0x1E000] =	vst v63  }
0x281: {  	v3 =	vld [tilespmem:s28+$0xFFFFFFF0];
	_ =	sdelay $0x4  }
0x282: {  	v62 =	vshll.u32 v3, $0x2  }
0x283: {  	v3 =	vand.u32 $0x7, v3;
	v4 =	vand.u32 $0xFFFFFFE0, v62  }
0x284: {  	v3 =	vor.u32 v3, v4  }
0x285: {  	v4 =	vperm.xlane v3, v0;
	_ =	sdelay $0x1  }
0x286: {  	v4 =	vadd.s32 v1, v4;
	_ =	sdelay $0x1  }
0x287: {  	v3 =	vperm.xlane v3, v2;
	_ =	sdelay $0x1  }
0x288: {  	s16 =	simm.s32 $0x16000;
	v3 =	vadd.s32 v1, v3  }
0x289: {  	[tilespmem:s16], [sflag:$0x4] =	stream.indirect_vreg.gather [hbm4b:s1+s3], $0x80, v4, vm0, $0xb8;
	[tilespmem:$0x1E000] =	vst v63  }
0x28a: {  	s31 =	simm.s32 $0x16800  }
0x28b: {  	[tilespmem:s31], [sflag:$0x4] =	stream.indirect_vreg.gather [hbm4b:s5+s3], $0x80, v4, vm0, $0xb8;
	[tilespmem:$0x1E000] =	vst v63  }
0x28c: {  	s16 =	simm.s32 $0x17000  }
0x28d: {  	[tilespmem:s16], [sflag:$0x4] =	stream.indirect_vreg.gather [hbm4b:s1+s3], $0x80, v3, vm0, $0xb8;
	[tilespmem:$0x1E000] =	vst v63  }
0x28e: {  	s31 =	simm.s32 $0x17800  }
0x28f: {  	[tilespmem:s31], [sflag:$0x4] =	stream.indirect_vreg.gather [hbm4b:s5+s3], $0x80, v3, vm0, $0xb8;
	[tilespmem:$0x1E000] =	vst v63  }
0x290: {  	v3 =	vld.msk [tilespmem:s28+$0x0], $0xff;
	_ =	sdelay $0x4  }
0x291: {  	v63 =	vshll.u32 v3, $0x2  }
0x292: {  	v3 =	vand.u32 $0x7, v3;
	v4 =	vand.u32 $0xFFFFFFE0, v63  }
0x293: {  	v3 =	vor.u32 v3, v4  }
0x294: {  	v3 =	vperm.xlane v3, v0;
	_ =	sdelay $0x1  }
0x295: {  	v3 =	vadd.s32 v1, v3;
	_ =	sdelay $0x1  }
0x296: {  	p0 =	sne.s32 s30, $0x5AA00  }
.Ltmp0:
0x297: {  	s29 =	simm.s32 $0x5000;
	s11 =	simm.s32 $0xA000;
	(pc) =	sbr.rel @p0 .LBB2_2-.Ltmp0, $4  }
0x298: {  	s12 =	simm.s32 $0xF000;
	s14 =	simm.s32 $0x14000;
	s16 =	simm.s32 $0x18000  }
0x299: {  	[tilespmem:s16], [sflag:$0x4] =	stream.indirect_vreg.gather [hbm4b:s1+s3], $0x80, v3, vm0, $0xb8;
	[tilespmem:$0x1E000] =	vst v63  }
0x29a: {  	s30 =	sadd.s32 $0x3200, s30;
	s31 =	simm.s32 $0x18800;
	s28 =	sadd.s32 $0x280, s28  }
0x29b: {  	[tilespmem:s31], [sflag:$0x4] =	stream.indirect_vreg.gather [hbm4b:s5+s3], $0x80, v3, vm0, $0xb8;
	[tilespmem:$0x1E000] =	vst v63  }
0x29c: {  	_ =	swait.ge [sflag:s0], $0x5000  }
0x29d: {  	[sflag:s0] =	ssyncset.done $0x0  }
0x29e: {  	s28 =	rddreg [dreg:$0xf];
	[sflag:s0] =	ssyncadd.s32 $0xFFFFB000  }
0x29f: {  	[hbm4b:s28+s3] =	stream.linear.scatter [tilespmem:s29], [sflag:$0x6], $0x5000, $0x38;
	[tilespmem:$0x1E000] =	vst v63  }
0x2a0: {  	_ =	swait.ge [sflag:s26], $0x5000  }
0x2a1: {  	[sflag:s26] =	ssyncset.done $0x0  }
0x2a2: {  	[sflag:s26] =	ssyncadd.s32 $0xFFFFB000  }
0x2a3: {  	v3 =	vld [tilespmem:$0x4F80];
	_ =	sdelay $0x4  }
0x2a4: {  	v4 =	vshll.u32 v3, $0x2  }
0x2a5: {  	v3 =	vand.u32 $0x7, v3;
	v4 =	vand.u32 $0xFFFFFFE0, v4  }
0x2a6: {  	v3 =	vor.u32 v3, v4  }
0x2a7: {  	v4 =	vperm.xlane v3, v0;
	_ =	sdelay $0x1  }
0x2a8: {  	v4 =	vadd.s32 v1, v4;
	_ =	sdelay $0x1  }
0x2a9: {  	v3 =	vperm.xlane v3, v2;
	_ =	sdelay $0x1  }
0x2aa: {  	s2 =	simm.s32 $0x19000;
	v3 =	vadd.s32 v1, v3  }
0x2ab: {  	[tilespmem:s2], [sflag:$0x5] =	stream.indirect_vreg.gather [hbm4b:s1+s3], $0x80, v4, vm0, $0xb8;
	[tilespmem:$0x1E000] =	vst v63  }
0x2ac: {  	s4 =	simm.s32 $0x19800  }
0x2ad: {  	[tilespmem:s4], [sflag:$0x5] =	stream.indirect_vreg.gather [hbm4b:s5+s3], $0x80, v4, vm0, $0xb8;
	[tilespmem:$0x1E000] =	vst v63  }
0x2ae: {  	s13 =	simm.s32 $0x1A000  }
0x2af: {  	[tilespmem:s13], [sflag:$0x5] =	stream.indirect_vreg.gather [hbm4b:s1+s3], $0x80, v3, vm0, $0xb8;
	[tilespmem:$0x1E000] =	vst v63  }
0x2b0: {  	s15 =	simm.s32 $0x1A800  }
0x2b1: {  	[tilespmem:s15], [sflag:$0x5] =	stream.indirect_vreg.gather [hbm4b:s5+s3], $0x80, v3, vm0, $0xb8;
	[tilespmem:$0x1E000] =	vst v63  }
0x2b2: {  	v3 =	vld [tilespmem:$0x4F90];
	_ =	sdelay $0x4  }
0x2b3: {  	v62 =	vshll.u32 v3, $0x2  }
0x2b4: {  	v3 =	vand.u32 $0x7, v3;
	v4 =	vand.u32 $0xFFFFFFE0, v62  }
0x2b5: {  	v3 =	vor.u32 v3, v4  }
0x2b6: {  	v4 =	vperm.xlane v3, v0;
	_ =	sdelay $0x1  }
0x2b7: {  	v4 =	vadd.s32 v1, v4;
	_ =	sdelay $0x1  }
0x2b8: {  	v3 =	vperm.xlane v3, v2;
	_ =	sdelay $0x1  }
0x2b9: {  	s16 =	simm.s32 $0x1B000;
	v3 =	vadd.s32 v1, v3  }
0x2ba: {  	[tilespmem:s16], [sflag:$0x5] =	stream.indirect_vreg.gather [hbm4b:s1+s3], $0x80, v4, vm0, $0xb8;
	[tilespmem:$0x1E000] =	vst v63  }
0x2bb: {  	s18 =	simm.s32 $0x1B800  }
0x2bc: {  	[tilespmem:s18], [sflag:$0x5] =	stream.indirect_vreg.gather [hbm4b:s5+s3], $0x80, v4, vm0, $0xb8;
	[tilespmem:$0x1E000] =	vst v63  }
0x2bd: {  	s28 =	simm.s32 $0x1C000  }
0x2be: {  	[tilespmem:s28], [sflag:$0x5] =	stream.indirect_vreg.gather [hbm4b:s1+s3], $0x80, v3, vm0, $0xb8;
	[tilespmem:$0x1E000] =	vst v63  }
0x2bf: {  	s7 =	simm.s32 $0x1C800  }
0x2c0: {  	[tilespmem:s7], [sflag:$0x5] =	stream.indirect_vreg.gather [hbm4b:s5+s3], $0x80, v3, vm0, $0xb8;
	[tilespmem:$0x1E000] =	vst v63  }
0x2c1: {  	v3 =	vld.msk [tilespmem:$0x4FA0], $0xff;
	_ =	sdelay $0x4  }
0x2c2: {  	v63 =	vshll.u32 v3, $0x2  }
0x2c3: {  	v3 =	vand.u32 $0x7, v3;
	v4 =	vand.u32 $0xFFFFFFE0, v63  }
0x2c4: {  	v3 =	vor.u32 v3, v4  }
0x2c5: {  	v3 =	vperm.xlane v3, v0;
	_ =	sdelay $0x1  }
0x2c6: {  	v3 =	vadd.s32 v1, v3;
	_ =	sdelay $0x3  }
0x2c7: {  	s8 =	simm.s32 $0x1D000  }
0x2c8: {  	[tilespmem:s8], [sflag:$0x5] =	stream.indirect_vreg.gather [hbm4b:s1+s3], $0x80, v3, vm0, $0xb8;
	[tilespmem:$0x1E000] =	vst v63  }
0x2c9: {  	s9 =	simm.s32 $0x1D800  }
0x2ca: {  	[tilespmem:s9], [sflag:$0x5] =	stream.indirect_vreg.gather [hbm4b:s5+s3], $0x80, v3, vm0, $0xb8;
	[tilespmem:$0x1E000] =	vst v63  }
0x2cb: {  	_ =	swait.ge [sflag:s6], $0x5000  }
0x2cc: {  	[sflag:s6] =	ssyncset.done $0x0  }
0x2cd: {  	s10 =	rddreg [dreg:$0x10];
	[sflag:s6] =	ssyncadd.s32 $0xFFFFB000  }
0x2ce: {  	[hbm4b:s10+s3] =	stream.linear.scatter [tilespmem:s11], [sflag:$0x7], $0x5000, $0x38;
	[tilespmem:$0x1E000] =	vst v63  }
0x2cf: {  	_ =	swait.ge [sflag:s17], $0x5000  }
0x2d0: {  	[sflag:s17] =	ssyncset.done $0x0  }
0x2d1: {  	[sflag:s17] =	ssyncadd.s32 $0xFFFFB000  }
0x2d2: {  	_ =	swait.ge [sflag:s19], $0x5000  }
0x2d3: {  	[sflag:s19] =	ssyncset.done $0x0  }
0x2d4: {  	s11 =	rddreg [dreg:$0x11];
	[sflag:s19] =	ssyncadd.s32 $0xFFFFB000  }
0x2d5: {  	[hbm4b:s11+s3] =	stream.linear.scatter [tilespmem:s12], [sflag:$0x8], $0x5000, $0x38;
	[tilespmem:$0x1E000] =	vst v63  }
0x2d6: {  	_ =	swait.ge [sflag:s20], $0x5000  }
0x2d7: {  	[sflag:s20] =	ssyncset.done $0x0  }
0x2d8: {  	[sflag:s20] =	ssyncadd.s32 $0xFFFFB000  }
0x2d9: {  	_ =	swait.ge [sflag:s22], $0x5000  }
0x2da: {  	[sflag:s22] =	ssyncset.done $0x0  }
0x2db: {  	s13 =	rddreg [dreg:$0x12];
	[sflag:s22] =	ssyncadd.s32 $0xFFFFB000  }
0x2dc: {  	[hbm4b:s13+s3] =	stream.linear.scatter [tilespmem:s14], [sflag:$0x9], $0x5000, $0x38;
	[tilespmem:$0x1E000] =	vst v63  }
0x2dd: {  	_ =	swait.ge [sflag:s23], $0x5000  }
0x2de: {  	[sflag:s23] =	ssyncset.done $0x0  }
0x2df: {  	[sflag:s23] =	ssyncadd.s32 $0xFFFFB000  }
0x2e0: {  	_ =	swait.ge [sflag:s24], $0x5000  }
0x2e1: {  	[sflag:s24] =	ssyncset.done $0x0  }
0x2e2: {  	s15 =	rddreg [dreg:$0x13];
	[sflag:s24] =	ssyncadd.s32 $0xFFFFB000  }
0x2e3: {  	[hbm4b:s15+s3] =	stream.linear.scatter [tilespmem:s2], [sflag:$0xA], $0x5000, $0x38;
	[tilespmem:$0x1E000] =	vst v63  }
0x2e4: {  	_ =	swait.ge [sflag:s25], $0x5000  }
0x2e5: {  	[sflag:s25] =	ssyncset.done $0x0  }
0x2e6: {  	[sflag:s25] =	ssyncadd.s32 $0xFFFFB000  }
0x2e7: {  	_ =	swait.ge [sflag:s26], $0x5000  }
0x2e8: {  	s16 =	rddreg [dreg:$0x15]  }
0x2e9: {  	s18 =	rddreg [dreg:$0x14];
	s11 =	sadd.s32 $0x1, s16  }
0x2ea: {  	s30 =	simm.s32 $0x5800;
	s31 =	simm.s32 $0xD000;
	p0 =	sne.s32 s11, s18  }
.Ltmp1:
0x2eb: {  	s29 =	simm.s32 $0xC000;
	s4 =	simm.s32 $0xC800;
	(pc) =	sbr.rel @p0 .LBB2_1-.Ltmp1, $4  }
0x2ec: {  	s7 =	simm.s32 $0x6800;
	s8 =	simm.s32 $0x7000;
	s9 =	simm.s32 $0x7800  }
0x2ed: {  	s10 =	simm.s32 $0x8000;
	s12 =	simm.s32 $0x8800;
	s13 =	simm.s32 $0x9000  }
0x2ee: {  	s14 =	simm.s32 $0x9800;
	s2 =	simm.s32 $0x6000;
	[sflag:s26] =	ssyncset.done $0x0  }
0x2ef: {  	s15 =	simm.s32 $0xA800;
	[sflag:s26] =	ssyncadd.s32 $0xFFFFB000;
	s16 =	simm.s32 $0xB000  }
0x2f0: {  	_ =	sfence.sel $0x180000  }
0x2f1: {  	[bflag:$0x0] =	sbarrier.arrive $0xFFFF  }
0x2f2: {  	_ =	strace $0x90000047  }
0x2f3: {  	s0 =	stileid.u32;
	[bflag:$0x2] =	sbarrier.arrive $0xFFFF  }
0x2f4: {  	p0 =	sne.s32 s0, $0x0;
	s0 =	rddreg [dreg:$0x3]  }
0x2f5: {  	s0 =	sadd.s32 @!p0 $0x100000, s0  }
0x2f6: {  	[sflag:s0] =	ssyncadd.tile.s32 @!p0 $0x1;
	_ =	shalt  }
.Lfunc_end2:
_tile_overlayer_lowered:
.L_overlay_start_2:
0x2f7: {  	(tag) =	ssettag $0x2  }
0x2f8: {  	s0 =	rddreg [dreg:$0x0];
	s2 =	stileid.u32  }
0x2f9: {  	s1 =	rddreg [dreg:$0x1];
	p0 =	sne.s32 s2, $0x0  }
0x2fa: {  	s3 =	rddreg [dreg:$0x2];
	[bflag:$0x3] =	sbarrier.arrive $0xFFFF;
	s2 =	simm.s32 @!p0 $0x1C0B  }
0x2fb: {  	[timem:s3], [sflag:s2] =	dma.local @!p0 [hbm:s0], s1  }
0x2fc: {  	s0 =	simm.s32 @!p0 $0xB  }
0x2fd: {  	_ =	swait.ge @!p0 [sflag:s0], s1  }
0x2fe: {  	s1 =	ssub.s32 @!p0 $0x0, s1;
	[sflag:s0] =	ssyncset.done @!p0 $0x0  }
0x2ff: {  	[sflag:s0] =	ssyncadd.s32 @!p0 s1  }
0x300: {  	[bflag:$0x3] =	sbarrier.arrive $0xFFFF  }
0x301: {  	_ =	shalt  }

</sc_bundles>
